<compile_context>
chip_gen: v7x
topology: tpu7x:2x2x1
jax: 0.10.2.dev20260603
libtpu: 0.0.44.dev20260713+nightly
codegen_flags: <defaults>
</compile_context>

<pallas_src>
import functools

import jax
import jax.numpy as jnp
from jax import lax
from jax.experimental import pallas as pl
from jax.experimental.pallas import tpu as pltpu
from jax.experimental.pallas import tpu_sc as plsc

N = 6890

_info = plsc.get_sparse_core_info()
NC, NS, L = _info.num_cores, _info.num_subcores, _info.num_lanes
NW = NC * NS
CHUNK = 256
PAD = CHUNK * NW
NGATH = CHUNK // 128
NVEC = CHUNK // L
NP2P = 6912


def _sc_body(p2p_hbm, ca_hbm, cb_hbm, flat_hbm, w_hbm, out_hbm,
             p2p_v, ca_v, cb_v, idx_v, vals_v, w_v, acc_v, tmp_v, out_v,
             shared, sem):
    cid = lax.axis_index("c")
    sid = lax.axis_index("s")
    wid = sid * NC + cid
    base = wid * CHUNK

    pltpu.sync_copy(p2p_hbm, p2p_v)
    pltpu.sync_copy(ca_hbm.at[pl.ds(base, CHUNK)], ca_v)
    pltpu.sync_copy(cb_hbm.at[pl.ds(base, CHUNK)], cb_v)
    pltpu.sync_copy(w_hbm.at[pl.ds(base, CHUNK)], w_v)

    for j in range(NVEC):
        ca = ca_v[pl.ds(j * L, L)]
        cb = cb_v[pl.ds(j * L, L)]
        pred = plsc.load_gather(p2p_v, [ca])
        flat = pred * N + cb
        idx_v[j // 8, pl.ds((j % 8) * L, L)] = flat

    copies = [
        pltpu.async_copy(flat_hbm.at[idx_v.at[g]], vals_v.at[g], sem)
        for g in range(NGATH)
    ]
    for cp in copies:
        cp.wait()

    acc = jnp.zeros((L,), jnp.float32)
    for j in range(NVEC):
        v = vals_v[j // 8, pl.ds((j % 8) * L, L)]
        w = w_v[pl.ds(j * L, L)]
        acc = acc + v * w
    acc_v[...] = acc

    pltpu.sync_copy(acc_v, out_hbm.at[wid])


_sc_call = functools.partial(
    pl.kernel,
    mesh=plsc.VectorSubcoreMesh(core_axis_name="c", subcore_axis_name="s"),
    out_type=jax.ShapeDtypeStruct((NW, L), jnp.float32),
    scratch_types=[
        pltpu.VMEM((NP2P,), jnp.int32),
        pltpu.VMEM((CHUNK,), jnp.int32),
        pltpu.VMEM((CHUNK,), jnp.int32),
        pltpu.VMEM((NGATH, 128), jnp.int32),
        pltpu.VMEM((NGATH, 128), jnp.float32),
        pltpu.VMEM((CHUNK,), jnp.float32),
        pltpu.VMEM((L,), jnp.float32),
        pltpu.VMEM((L,), jnp.float32),
        pltpu.VMEM((L,), jnp.float32),
        pltpu.VMEM_SHARED((NS, L), jnp.float32),
        pltpu.SemaphoreType.DMA,
    ],
    compiler_params=pltpu.CompilerParams(needs_layout_passes=False),
)(_sc_body)


def kernel(p2p12, dist_b, corr_a, corr_b):
    p2p = jnp.pad(p2p12.astype(jnp.int32), (0, NP2P - N))
    ca = jnp.pad(corr_a.astype(jnp.int32), (0, PAD - N))
    cb = jnp.pad(corr_b.astype(jnp.int32), (0, PAD - N))
    flat = dist_b.reshape(-1)
    w = (jnp.arange(PAD, dtype=jnp.int32) < N).astype(jnp.float32)
    out = _sc_call(p2p, ca, cb, flat, w)
    return jnp.sum(out) * jnp.float32(1.0 / N)

# --- scband reference (transcript-rebuilt; emitter-appended) ---
"""Pipeline reference for scband-geodesic-error-4458176053363 (READ-ONLY COPY).

The authoritative reference and input builder live on the scoring server;
editing this copy changes nothing except your own understanding.
"""

import jax, jax.numpy as jnp
import numpy as np

N = 6890

def setup_inputs(seed: int = 0) -> dict:
    key = jax.random.key(seed)
    k1, k2, k3, k4 = jax.random.split(key, 4)
    p2p12 = jax.random.randint(k1, (N,), 0, N, dtype=jnp.int64 if jax.config.jax_enable_x64 else jnp.int32)
    dist_b = jax.random.uniform(k2, (N, N), dtype=jnp.float32)
    corr_a = jax.random.randint(k3, (N,), 0, N, dtype=jnp.int64 if jax.config.jax_enable_x64 else jnp.int32)
    corr_b = jax.random.randint(k4, (N,), 0, N, dtype=jnp.int64 if jax.config.jax_enable_x64 else jnp.int32)
    return {"p2p12": p2p12, "dist_b": dist_b, "corr_a": corr_a, "corr_b": corr_b}

def reference(p2p12, dist_b, corr_a, corr_b):
    # target_dist[p2p[source_corr], target_corr] -> gather rows by p2p12[corr_a], cols by corr_b
    pred_idx = jnp.take(p2p12, corr_a, axis=0)          # [C]
    vals = dist_b[pred_idx, corr_b]                      # fancy-index gather [C]
    return jnp.mean(vals)

if __name__ == "__main__":
    import jax
    _d = setup_inputs()
    print(jax.jit(kernel)(*tuple(_d.values())))

</pallas_src>

<mosaic_0001>
#map = affine_map<(d0, d1) -> (0)>
#map1 = affine_map<(d0, d1) -> (0, 0)>
module attributes {stable_mosaic.version = 14 : i64} {
  func.func @_sc_body(%arg0: i32, %arg1: i32, %arg2: memref<6912xi32, #tpu.memory_space<hbm>>, %arg3: memref<8192xi32, #tpu.memory_space<hbm>>, %arg4: memref<8192xi32, #tpu.memory_space<hbm>>, %arg5: memref<47472100xf32, #tpu.memory_space<hbm>>, %arg6: memref<8192xf32, #tpu.memory_space<hbm>>, %arg7: memref<32x16xf32, #tpu.memory_space<hbm>>, %arg8: memref<6912xi32, #tpu.memory_space<vmem>>, %arg9: memref<256xi32, #tpu.memory_space<vmem>>, %arg10: memref<256xi32, #tpu.memory_space<vmem>>, %arg11: memref<2x128xi32, #tpu.memory_space<vmem>>, %arg12: memref<2x128xf32, #tpu.memory_space<vmem>>, %arg13: memref<256xf32, #tpu.memory_space<vmem>>, %arg14: memref<16xf32, #tpu.memory_space<vmem>>, %arg15: memref<16xf32, #tpu.memory_space<vmem>>, %arg16: memref<16xf32, #tpu.memory_space<vmem>>, %arg17: memref<16x16xf32, #tpu.memory_space<vmem_shared>>, %arg18: memref<!tpu.dma_semaphore, #tpu.memory_space<semaphore_mem>>) attributes {dimension_semantics = [#tpu.dimension_semantics<core_parallel>, #tpu.dimension_semantics<subcore_parallel>], iteration_bounds = array<i64: 2, 16>, scalar_prefetch = 0 : i64, scratch_operands = 11 : i64, tpu.core_type = #tpu.core_type<sc_vector_subcore>, window_params = [{transform_indices = #map}, {transform_indices = #map}, {transform_indices = #map}, {transform_indices = #map}, {transform_indices = #map}, {transform_indices = #map1}]} {
    %mul3A = arith.constant 2 : i32
    %mul3A_0 = arith.muli %arg1, %mul3A : i32
    %add3A = arith.addi %mul3A_0, %arg0 : i32
    %mul3A_1 = arith.constant 256 : i32
    %mul3A_2 = arith.muli %add3A, %mul3A_1 : i32
    "tpu.region"() ({
      %run_scoped3A = tpu.sem_alloc : memref<!tpu.dma_semaphore, #tpu.memory_space<semaphore_mem>>
      tpu.enqueue_dma source(%arg2 : memref<6912xi32, #tpu.memory_space<hbm>>) target(%arg8 : memref<6912xi32, #tpu.memory_space<vmem>>) target_semaphore(%run_scoped3A : memref<!tpu.dma_semaphore, #tpu.memory_space<semaphore_mem>>)
      tpu.wait_dma2 semaphore(%run_scoped3A : memref<!tpu.dma_semaphore, #tpu.memory_space<semaphore_mem>>) src(%arg2 : memref<6912xi32, #tpu.memory_space<hbm>>) dst(%arg8 : memref<6912xi32, #tpu.memory_space<vmem>>)
      tpu.yield
    }) : () -> ()
    "tpu.region"() ({
      %run_scoped3A = tpu.sem_alloc : memref<!tpu.dma_semaphore, #tpu.memory_space<semaphore_mem>>
      %dma_start3A_377 = tpu.memref_slice %arg3[%mul3A_2] : memref<8192xi32, #tpu.memory_space<hbm>> -> memref<256xi32, #tpu.memory_space<hbm>>
      %dma_start3A_378 = tpu.memref_slice %arg3[%mul3A_2] : memref<8192xi32, #tpu.memory_space<hbm>> -> memref<256xi32, #tpu.memory_space<hbm>>
      tpu.enqueue_dma source(%dma_start3A_378 : memref<256xi32, #tpu.memory_space<hbm>>) target(%arg9 : memref<256xi32, #tpu.memory_space<vmem>>) target_semaphore(%run_scoped3A : memref<!tpu.dma_semaphore, #tpu.memory_space<semaphore_mem>>)
      %dma_wait3A_379 = tpu.memref_slice %arg3[%mul3A_2] : memref<8192xi32, #tpu.memory_space<hbm>> -> memref<256xi32, #tpu.memory_space<hbm>>
      %dma_wait3A_380 = tpu.memref_slice %arg3[%mul3A_2] : memref<8192xi32, #tpu.memory_space<hbm>> -> memref<256xi32, #tpu.memory_space<hbm>>
      tpu.wait_dma2 semaphore(%run_scoped3A : memref<!tpu.dma_semaphore, #tpu.memory_space<semaphore_mem>>) src(%dma_wait3A_380 : memref<256xi32, #tpu.memory_space<hbm>>) dst(%arg9 : memref<256xi32, #tpu.memory_space<vmem>>)
      tpu.yield
    }) : () -> ()
    "tpu.region"() ({
      %run_scoped3A = tpu.sem_alloc : memref<!tpu.dma_semaphore, #tpu.memory_space<semaphore_mem>>
      %dma_start3A_377 = tpu.memref_slice %arg4[%mul3A_2] : memref<8192xi32, #tpu.memory_space<hbm>> -> memref<256xi32, #tpu.memory_space<hbm>>
      %dma_start3A_378 = tpu.memref_slice %arg4[%mul3A_2] : memref<8192xi32, #tpu.memory_space<hbm>> -> memref<256xi32, #tpu.memory_space<hbm>>
      tpu.enqueue_dma source(%dma_start3A_378 : memref<256xi32, #tpu.memory_space<hbm>>) target(%arg10 : memref<256xi32, #tpu.memory_space<vmem>>) target_semaphore(%run_scoped3A : memref<!tpu.dma_semaphore, #tpu.memory_space<semaphore_mem>>)
      %dma_wait3A_379 = tpu.memref_slice %arg4[%mul3A_2] : memref<8192xi32, #tpu.memory_space<hbm>> -> memref<256xi32, #tpu.memory_space<hbm>>
      %dma_wait3A_380 = tpu.memref_slice %arg4[%mul3A_2] : memref<8192xi32, #tpu.memory_space<hbm>> -> memref<256xi32, #tpu.memory_space<hbm>>
      tpu.wait_dma2 semaphore(%run_scoped3A : memref<!tpu.dma_semaphore, #tpu.memory_space<semaphore_mem>>) src(%dma_wait3A_380 : memref<256xi32, #tpu.memory_space<hbm>>) dst(%arg10 : memref<256xi32, #tpu.memory_space<vmem>>)
      tpu.yield
    }) : () -> ()
    "tpu.region"() ({
      %run_scoped3A = tpu.sem_alloc : memref<!tpu.dma_semaphore, #tpu.memory_space<semaphore_mem>>
      %dma_start3A_377 = tpu.memref_slice %arg6[%mul3A_2] : memref<8192xf32, #tpu.memory_space<hbm>> -> memref<256xf32, #tpu.memory_space<hbm>>
      %dma_start3A_378 = tpu.memref_slice %arg6[%mul3A_2] : memref<8192xf32, #tpu.memory_space<hbm>> -> memref<256xf32, #tpu.memory_space<hbm>>
      tpu.enqueue_dma source(%dma_start3A_378 : memref<256xf32, #tpu.memory_space<hbm>>) target(%arg13 : memref<256xf32, #tpu.memory_space<vmem>>) target_semaphore(%run_scoped3A : memref<!tpu.dma_semaphore, #tpu.memory_space<semaphore_mem>>)
      %dma_wait3A_379 = tpu.memref_slice %arg6[%mul3A_2] : memref<8192xf32, #tpu.memory_space<hbm>> -> memref<256xf32, #tpu.memory_space<hbm>>
      %dma_wait3A_380 = tpu.memref_slice %arg6[%mul3A_2] : memref<8192xf32, #tpu.memory_space<hbm>> -> memref<256xf32, #tpu.memory_space<hbm>>
      tpu.wait_dma2 semaphore(%run_scoped3A : memref<!tpu.dma_semaphore, #tpu.memory_space<semaphore_mem>>) src(%dma_wait3A_380 : memref<256xf32, #tpu.memory_space<hbm>>) dst(%arg13 : memref<256xf32, #tpu.memory_space<vmem>>)
      tpu.yield
    }) : () -> ()
    %get3A = arith.constant 0 : index
    %get3A_3 = tpu.vector_load %arg9[%get3A] {strides = array<i32>} : memref<256xi32, #tpu.memory_space<vmem>>, vector<16xi32>,
    %get3A_4 = arith.constant 0 : index
    %get3A_5 = tpu.vector_load %arg10[%get3A_4] {strides = array<i32>} : memref<256xi32, #tpu.memory_space<vmem>>, vector<16xi32>,
    %gather3A = tpu.vector_load_idx %arg8[%get3A_3] : memref<6912xi32, #tpu.memory_space<vmem>>[vector<16xi32>], vector<16xi32>,
    %mul3A_6 = arith.constant 6890 : i32
    %mul3A_7 = vector.broadcast %mul3A_6 : i32 to vector<16xi32>
    %mul3A_8 = arith.muli %gather3A, %mul3A_7 : vector<16xi32>
    %add3A_9 = arith.addi %mul3A_8, %get3A_5 : vector<16xi32>
    %swap3A = arith.constant 0 : i32
    %swap3A_10 = arith.index_cast %swap3A : i32 to index
    %swap3A_11 = arith.constant 0 : index
    %swap3A_12 = tpu.vector_load %arg11[%swap3A_10, %swap3A_11] {strides = array<i32>} : memref<2x128xi32, #tpu.memory_space<vmem>>, vector<16xi32>,
    tpu.vector_store %arg11[%swap3A_10, %swap3A_11], %add3A_9 {strides = array<i32>} : memref<2x128xi32, #tpu.memory_space<vmem>>, vector<16xi32>,
    %get3A_13 = arith.constant 16 : index
    %get3A_14 = tpu.vector_load %arg9[%get3A_13] {strides = array<i32>} : memref<256xi32, #tpu.memory_space<vmem>>, vector<16xi32>,
    %get3A_15 = arith.constant 16 : index
    %get3A_16 = tpu.vector_load %arg10[%get3A_15] {strides = array<i32>} : memref<256xi32, #tpu.memory_space<vmem>>, vector<16xi32>,
    %gather3A_17 = tpu.vector_load_idx %arg8[%get3A_14] : memref<6912xi32, #tpu.memory_space<vmem>>[vector<16xi32>], vector<16xi32>,
    %mul3A_18 = arith.constant 6890 : i32
    %mul3A_19 = vector.broadcast %mul3A_18 : i32 to vector<16xi32>
    %mul3A_20 = arith.muli %gather3A_17, %mul3A_19 : vector<16xi32>
    %add3A_21 = arith.addi %mul3A_20, %get3A_16 : vector<16xi32>
    %swap3A_22 = arith.constant 0 : i32
    %swap3A_23 = arith.index_cast %swap3A_22 : i32 to index
    %swap3A_24 = arith.constant 16 : index
    %swap3A_25 = tpu.vector_load %arg11[%swap3A_23, %swap3A_24] {strides = array<i32>} : memref<2x128xi32, #tpu.memory_space<vmem>>, vector<16xi32>,
    tpu.vector_store %arg11[%swap3A_23, %swap3A_24], %add3A_21 {strides = array<i32>} : memref<2x128xi32, #tpu.memory_space<vmem>>, vector<16xi32>,
    %get3A_26 = arith.constant 32 : index
    %get3A_27 = tpu.vector_load %arg9[%get3A_26] {strides = array<i32>} : memref<256xi32, #tpu.memory_space<vmem>>, vector<16xi32>,
    %get3A_28 = arith.constant 32 : index
    %get3A_29 = tpu.vector_load %arg10[%get3A_28] {strides = array<i32>} : memref<256xi32, #tpu.memory_space<vmem>>, vector<16xi32>,
    %gather3A_30 = tpu.vector_load_idx %arg8[%get3A_27] : memref<6912xi32, #tpu.memory_space<vmem>>[vector<16xi32>], vector<16xi32>,
    %mul3A_31 = arith.constant 6890 : i32
    %mul3A_32 = vector.broadcast %mul3A_31 : i32 to vector<16xi32>
    %mul3A_33 = arith.muli %gather3A_30, %mul3A_32 : vector<16xi32>
    %add3A_34 = arith.addi %mul3A_33, %get3A_29 : vector<16xi32>
    %swap3A_35 = arith.constant 0 : i32
    %swap3A_36 = arith.index_cast %swap3A_35 : i32 to index
    %swap3A_37 = arith.constant 32 : index
    %swap3A_38 = tpu.vector_load %arg11[%swap3A_36, %swap3A_37] {strides = array<i32>} : memref<2x128xi32, #tpu.memory_space<vmem>>, vector<16xi32>,
    tpu.vector_store %arg11[%swap3A_36, %swap3A_37], %add3A_34 {strides = array<i32>} : memref<2x128xi32, #tpu.memory_space<vmem>>, vector<16xi32>,
    %get3A_39 = arith.constant 48 : index
    %get3A_40 = tpu.vector_load %arg9[%get3A_39] {strides = array<i32>} : memref<256xi32, #tpu.memory_space<vmem>>, vector<16xi32>,
    %get3A_41 = arith.constant 48 : index
    %get3A_42 = tpu.vector_load %arg10[%get3A_41] {strides = array<i32>} : memref<256xi32, #tpu.memory_space<vmem>>, vector<16xi32>,
    %gather3A_43 = tpu.vector_load_idx %arg8[%get3A_40] : memref<6912xi32, #tpu.memory_space<vmem>>[vector<16xi32>], vector<16xi32>,
    %mul3A_44 = arith.constant 6890 : i32
    %mul3A_45 = vector.broadcast %mul3A_44 : i32 to vector<16xi32>
    %mul3A_46 = arith.muli %gather3A_43, %mul3A_45 : vector<16xi32>
    %add3A_47 = arith.addi %mul3A_46, %get3A_42 : vector<16xi32>
    %swap3A_48 = arith.constant 0 : i32
    %swap3A_49 = arith.index_cast %swap3A_48 : i32 to index
    %swap3A_50 = arith.constant 48 : index
    %swap3A_51 = tpu.vector_load %arg11[%swap3A_49, %swap3A_50] {strides = array<i32>} : memref<2x128xi32, #tpu.memory_space<vmem>>, vector<16xi32>,
    tpu.vector_store %arg11[%swap3A_49, %swap3A_50], %add3A_47 {strides = array<i32>} : memref<2x128xi32, #tpu.memory_space<vmem>>, vector<16xi32>,
    %get3A_52 = arith.constant 64 : index
    %get3A_53 = tpu.vector_load %arg9[%get3A_52] {strides = array<i32>} : memref<256xi32, #tpu.memory_space<vmem>>, vector<16xi32>,
    %get3A_54 = arith.constant 64 : index
    %get3A_55 = tpu.vector_load %arg10[%get3A_54] {strides = array<i32>} : memref<256xi32, #tpu.memory_space<vmem>>, vector<16xi32>,
    %gather3A_56 = tpu.vector_load_idx %arg8[%get3A_53] : memref<6912xi32, #tpu.memory_space<vmem>>[vector<16xi32>], vector<16xi32>,
    %mul3A_57 = arith.constant 6890 : i32
    %mul3A_58 = vector.broadcast %mul3A_57 : i32 to vector<16xi32>
    %mul3A_59 = arith.muli %gather3A_56, %mul3A_58 : vector<16xi32>
    %add3A_60 = arith.addi %mul3A_59, %get3A_55 : vector<16xi32>
    %swap3A_61 = arith.constant 0 : i32
    %swap3A_62 = arith.index_cast %swap3A_61 : i32 to index
    %swap3A_63 = arith.constant 64 : index
    %swap3A_64 = tpu.vector_load %arg11[%swap3A_62, %swap3A_63] {strides = array<i32>} : memref<2x128xi32, #tpu.memory_space<vmem>>, vector<16xi32>,
    tpu.vector_store %arg11[%swap3A_62, %swap3A_63], %add3A_60 {strides = array<i32>} : memref<2x128xi32, #tpu.memory_space<vmem>>, vector<16xi32>,
    %get3A_65 = arith.constant 80 : index
    %get3A_66 = tpu.vector_load %arg9[%get3A_65] {strides = array<i32>} : memref<256xi32, #tpu.memory_space<vmem>>, vector<16xi32>,
    %get3A_67 = arith.constant 80 : index
    %get3A_68 = tpu.vector_load %arg10[%get3A_67] {strides = array<i32>} : memref<256xi32, #tpu.memory_space<vmem>>, vector<16xi32>,
    %gather3A_69 = tpu.vector_load_idx %arg8[%get3A_66] : memref<6912xi32, #tpu.memory_space<vmem>>[vector<16xi32>], vector<16xi32>,
    %mul3A_70 = arith.constant 6890 : i32
    %mul3A_71 = vector.broadcast %mul3A_70 : i32 to vector<16xi32>
    %mul3A_72 = arith.muli %gather3A_69, %mul3A_71 : vector<16xi32>
    %add3A_73 = arith.addi %mul3A_72, %get3A_68 : vector<16xi32>
    %swap3A_74 = arith.constant 0 : i32
    %swap3A_75 = arith.index_cast %swap3A_74 : i32 to index
    %swap3A_76 = arith.constant 80 : index
    %swap3A_77 = tpu.vector_load %arg11[%swap3A_75, %swap3A_76] {strides = array<i32>} : memref<2x128xi32, #tpu.memory_space<vmem>>, vector<16xi32>,
    tpu.vector_store %arg11[%swap3A_75, %swap3A_76], %add3A_73 {strides = array<i32>} : memref<2x128xi32, #tpu.memory_space<vmem>>, vector<16xi32>,
    %get3A_78 = arith.constant 96 : index
    %get3A_79 = tpu.vector_load %arg9[%get3A_78] {strides = array<i32>} : memref<256xi32, #tpu.memory_space<vmem>>, vector<16xi32>,
    %get3A_80 = arith.constant 96 : index
    %get3A_81 = tpu.vector_load %arg10[%get3A_80] {strides = array<i32>} : memref<256xi32, #tpu.memory_space<vmem>>, vector<16xi32>,
    %gather3A_82 = tpu.vector_load_idx %arg8[%get3A_79] : memref<6912xi32, #tpu.memory_space<vmem>>[vector<16xi32>], vector<16xi32>,
    %mul3A_83 = arith.constant 6890 : i32
    %mul3A_84 = vector.broadcast %mul3A_83 : i32 to vector<16xi32>
    %mul3A_85 = arith.muli %gather3A_82, %mul3A_84 : vector<16xi32>
    %add3A_86 = arith.addi %mul3A_85, %get3A_81 : vector<16xi32>
    %swap3A_87 = arith.constant 0 : i32
    %swap3A_88 = arith.index_cast %swap3A_87 : i32 to index
    %swap3A_89 = arith.constant 96 : index
    %swap3A_90 = tpu.vector_load %arg11[%swap3A_88, %swap3A_89] {strides = array<i32>} : memref<2x128xi32, #tpu.memory_space<vmem>>, vector<16xi32>,
    tpu.vector_store %arg11[%swap3A_88, %swap3A_89], %add3A_86 {strides = array<i32>} : memref<2x128xi32, #tpu.memory_space<vmem>>, vector<16xi32>,
    %get3A_91 = arith.constant 112 : index
    %get3A_92 = tpu.vector_load %arg9[%get3A_91] {strides = array<i32>} : memref<256xi32, #tpu.memory_space<vmem>>, vector<16xi32>,
    %get3A_93 = arith.constant 112 : index
    %get3A_94 = tpu.vector_load %arg10[%get3A_93] {strides = array<i32>} : memref<256xi32, #tpu.memory_space<vmem>>, vector<16xi32>,
    %gather3A_95 = tpu.vector_load_idx %arg8[%get3A_92] : memref<6912xi32, #tpu.memory_space<vmem>>[vector<16xi32>], vector<16xi32>,
    %mul3A_96 = arith.constant 6890 : i32
    %mul3A_97 = vector.broadcast %mul3A_96 : i32 to vector<16xi32>
    %mul3A_98 = arith.muli %gather3A_95, %mul3A_97 : vector<16xi32>
    %add3A_99 = arith.addi %mul3A_98, %get3A_94 : vector<16xi32>
    %swap3A_100 = arith.constant 0 : i32
    %swap3A_101 = arith.index_cast %swap3A_100 : i32 to index
    %swap3A_102 = arith.constant 112 : index
    %swap3A_103 = tpu.vector_load %arg11[%swap3A_101, %swap3A_102] {strides = array<i32>} : memref<2x128xi32, #tpu.memory_space<vmem>>, vector<16xi32>,
    tpu.vector_store %arg11[%swap3A_101, %swap3A_102], %add3A_99 {strides = array<i32>} : memref<2x128xi32, #tpu.memory_space<vmem>>, vector<16xi32>,
    %get3A_104 = arith.constant 128 : index
    %get3A_105 = tpu.vector_load %arg9[%get3A_104] {strides = array<i32>} : memref<256xi32, #tpu.memory_space<vmem>>, vector<16xi32>,
    %get3A_106 = arith.constant 128 : index
    %get3A_107 = tpu.vector_load %arg10[%get3A_106] {strides = array<i32>} : memref<256xi32, #tpu.memory_space<vmem>>, vector<16xi32>,
    %gather3A_108 = tpu.vector_load_idx %arg8[%get3A_105] : memref<6912xi32, #tpu.memory_space<vmem>>[vector<16xi32>], vector<16xi32>,
    %mul3A_109 = arith.constant 6890 : i32
    %mul3A_110 = vector.broadcast %mul3A_109 : i32 to vector<16xi32>
    %mul3A_111 = arith.muli %gather3A_108, %mul3A_110 : vector<16xi32>
    %add3A_112 = arith.addi %mul3A_111, %get3A_107 : vector<16xi32>
    %swap3A_113 = arith.constant 1 : i32
    %swap3A_114 = arith.index_cast %swap3A_113 : i32 to index
    %swap3A_115 = arith.constant 0 : index
    %swap3A_116 = tpu.vector_load %arg11[%swap3A_114, %swap3A_115] {strides = array<i32>} : memref<2x128xi32, #tpu.memory_space<vmem>>, vector<16xi32>,
    tpu.vector_store %arg11[%swap3A_114, %swap3A_115], %add3A_112 {strides = array<i32>} : memref<2x128xi32, #tpu.memory_space<vmem>>, vector<16xi32>,
    %get3A_117 = arith.constant 144 : index
    %get3A_118 = tpu.vector_load %arg9[%get3A_117] {strides = array<i32>} : memref<256xi32, #tpu.memory_space<vmem>>, vector<16xi32>,
    %get3A_119 = arith.constant 144 : index
    %get3A_120 = tpu.vector_load %arg10[%get3A_119] {strides = array<i32>} : memref<256xi32, #tpu.memory_space<vmem>>, vector<16xi32>,
    %gather3A_121 = tpu.vector_load_idx %arg8[%get3A_118] : memref<6912xi32, #tpu.memory_space<vmem>>[vector<16xi32>], vector<16xi32>,
    %mul3A_122 = arith.constant 6890 : i32
    %mul3A_123 = vector.broadcast %mul3A_122 : i32 to vector<16xi32>
    %mul3A_124 = arith.muli %gather3A_121, %mul3A_123 : vector<16xi32>
    %add3A_125 = arith.addi %mul3A_124, %get3A_120 : vector<16xi32>
    %swap3A_126 = arith.constant 1 : i32
    %swap3A_127 = arith.index_cast %swap3A_126 : i32 to index
    %swap3A_128 = arith.constant 16 : index
    %swap3A_129 = tpu.vector_load %arg11[%swap3A_127, %swap3A_128] {strides = array<i32>} : memref<2x128xi32, #tpu.memory_space<vmem>>, vector<16xi32>,
    tpu.vector_store %arg11[%swap3A_127, %swap3A_128], %add3A_125 {strides = array<i32>} : memref<2x128xi32, #tpu.memory_space<vmem>>, vector<16xi32>,
    %get3A_130 = arith.constant 160 : index
    %get3A_131 = tpu.vector_load %arg9[%get3A_130] {strides = array<i32>} : memref<256xi32, #tpu.memory_space<vmem>>, vector<16xi32>,
    %get3A_132 = arith.constant 160 : index
    %get3A_133 = tpu.vector_load %arg10[%get3A_132] {strides = array<i32>} : memref<256xi32, #tpu.memory_space<vmem>>, vector<16xi32>,
    %gather3A_134 = tpu.vector_load_idx %arg8[%get3A_131] : memref<6912xi32, #tpu.memory_space<vmem>>[vector<16xi32>], vector<16xi32>,
    %mul3A_135 = arith.constant 6890 : i32
    %mul3A_136 = vector.broadcast %mul3A_135 : i32 to vector<16xi32>
    %mul3A_137 = arith.muli %gather3A_134, %mul3A_136 : vector<16xi32>
    %add3A_138 = arith.addi %mul3A_137, %get3A_133 : vector<16xi32>
    %swap3A_139 = arith.constant 1 : i32
    %swap3A_140 = arith.index_cast %swap3A_139 : i32 to index
    %swap3A_141 = arith.constant 32 : index
    %swap3A_142 = tpu.vector_load %arg11[%swap3A_140, %swap3A_141] {strides = array<i32>} : memref<2x128xi32, #tpu.memory_space<vmem>>, vector<16xi32>,
    tpu.vector_store %arg11[%swap3A_140, %swap3A_141], %add3A_138 {strides = array<i32>} : memref<2x128xi32, #tpu.memory_space<vmem>>, vector<16xi32>,
    %get3A_143 = arith.constant 176 : index
    %get3A_144 = tpu.vector_load %arg9[%get3A_143] {strides = array<i32>} : memref<256xi32, #tpu.memory_space<vmem>>, vector<16xi32>,
    %get3A_145 = arith.constant 176 : index
    %get3A_146 = tpu.vector_load %arg10[%get3A_145] {strides = array<i32>} : memref<256xi32, #tpu.memory_space<vmem>>, vector<16xi32>,
    %gather3A_147 = tpu.vector_load_idx %arg8[%get3A_144] : memref<6912xi32, #tpu.memory_space<vmem>>[vector<16xi32>], vector<16xi32>,
    %mul3A_148 = arith.constant 6890 : i32
    %mul3A_149 = vector.broadcast %mul3A_148 : i32 to vector<16xi32>
    %mul3A_150 = arith.muli %gather3A_147, %mul3A_149 : vector<16xi32>
    %add3A_151 = arith.addi %mul3A_150, %get3A_146 : vector<16xi32>
    %swap3A_152 = arith.constant 1 : i32
    %swap3A_153 = arith.index_cast %swap3A_152 : i32 to index
    %swap3A_154 = arith.constant 48 : index
    %swap3A_155 = tpu.vector_load %arg11[%swap3A_153, %swap3A_154] {strides = array<i32>} : memref<2x128xi32, #tpu.memory_space<vmem>>, vector<16xi32>,
    tpu.vector_store %arg11[%swap3A_153, %swap3A_154], %add3A_151 {strides = array<i32>} : memref<2x128xi32, #tpu.memory_space<vmem>>, vector<16xi32>,
    %get3A_156 = arith.constant 192 : index
    %get3A_157 = tpu.vector_load %arg9[%get3A_156] {strides = array<i32>} : memref<256xi32, #tpu.memory_space<vmem>>, vector<16xi32>,
    %get3A_158 = arith.constant 192 : index
    %get3A_159 = tpu.vector_load %arg10[%get3A_158] {strides = array<i32>} : memref<256xi32, #tpu.memory_space<vmem>>, vector<16xi32>,
    %gather3A_160 = tpu.vector_load_idx %arg8[%get3A_157] : memref<6912xi32, #tpu.memory_space<vmem>>[vector<16xi32>], vector<16xi32>,
    %mul3A_161 = arith.constant 6890 : i32
    %mul3A_162 = vector.broadcast %mul3A_161 : i32 to vector<16xi32>
    %mul3A_163 = arith.muli %gather3A_160, %mul3A_162 : vector<16xi32>
    %add3A_164 = arith.addi %mul3A_163, %get3A_159 : vector<16xi32>
    %swap3A_165 = arith.constant 1 : i32
    %swap3A_166 = arith.index_cast %swap3A_165 : i32 to index
    %swap3A_167 = arith.constant 64 : index
    %swap3A_168 = tpu.vector_load %arg11[%swap3A_166, %swap3A_167] {strides = array<i32>} : memref<2x128xi32, #tpu.memory_space<vmem>>, vector<16xi32>,
    tpu.vector_store %arg11[%swap3A_166, %swap3A_167], %add3A_164 {strides = array<i32>} : memref<2x128xi32, #tpu.memory_space<vmem>>, vector<16xi32>,
    %get3A_169 = arith.constant 208 : index
    %get3A_170 = tpu.vector_load %arg9[%get3A_169] {strides = array<i32>} : memref<256xi32, #tpu.memory_space<vmem>>, vector<16xi32>,
    %get3A_171 = arith.constant 208 : index
    %get3A_172 = tpu.vector_load %arg10[%get3A_171] {strides = array<i32>} : memref<256xi32, #tpu.memory_space<vmem>>, vector<16xi32>,
    %gather3A_173 = tpu.vector_load_idx %arg8[%get3A_170] : memref<6912xi32, #tpu.memory_space<vmem>>[vector<16xi32>], vector<16xi32>,
    %mul3A_174 = arith.constant 6890 : i32
    %mul3A_175 = vector.broadcast %mul3A_174 : i32 to vector<16xi32>
    %mul3A_176 = arith.muli %gather3A_173, %mul3A_175 : vector<16xi32>
    %add3A_177 = arith.addi %mul3A_176, %get3A_172 : vector<16xi32>
    %swap3A_178 = arith.constant 1 : i32
    %swap3A_179 = arith.index_cast %swap3A_178 : i32 to index
    %swap3A_180 = arith.constant 80 : index
    %swap3A_181 = tpu.vector_load %arg11[%swap3A_179, %swap3A_180] {strides = array<i32>} : memref<2x128xi32, #tpu.memory_space<vmem>>, vector<16xi32>,
    tpu.vector_store %arg11[%swap3A_179, %swap3A_180], %add3A_177 {strides = array<i32>} : memref<2x128xi32, #tpu.memory_space<vmem>>, vector<16xi32>,
    %get3A_182 = arith.constant 224 : index
    %get3A_183 = tpu.vector_load %arg9[%get3A_182] {strides = array<i32>} : memref<256xi32, #tpu.memory_space<vmem>>, vector<16xi32>,
    %get3A_184 = arith.constant 224 : index
    %get3A_185 = tpu.vector_load %arg10[%get3A_184] {strides = array<i32>} : memref<256xi32, #tpu.memory_space<vmem>>, vector<16xi32>,
    %gather3A_186 = tpu.vector_load_idx %arg8[%get3A_183] : memref<6912xi32, #tpu.memory_space<vmem>>[vector<16xi32>], vector<16xi32>,
    %mul3A_187 = arith.constant 6890 : i32
    %mul3A_188 = vector.broadcast %mul3A_187 : i32 to vector<16xi32>
    %mul3A_189 = arith.muli %gather3A_186, %mul3A_188 : vector<16xi32>
    %add3A_190 = arith.addi %mul3A_189, %get3A_185 : vector<16xi32>
    %swap3A_191 = arith.constant 1 : i32
    %swap3A_192 = arith.index_cast %swap3A_191 : i32 to index
    %swap3A_193 = arith.constant 96 : index
    %swap3A_194 = tpu.vector_load %arg11[%swap3A_192, %swap3A_193] {strides = array<i32>} : memref<2x128xi32, #tpu.memory_space<vmem>>, vector<16xi32>,
    tpu.vector_store %arg11[%swap3A_192, %swap3A_193], %add3A_190 {strides = array<i32>} : memref<2x128xi32, #tpu.memory_space<vmem>>, vector<16xi32>,
    %get3A_195 = arith.constant 240 : index
    %get3A_196 = tpu.vector_load %arg9[%get3A_195] {strides = array<i32>} : memref<256xi32, #tpu.memory_space<vmem>>, vector<16xi32>,
    %get3A_197 = arith.constant 240 : index
    %get3A_198 = tpu.vector_load %arg10[%get3A_197] {strides = array<i32>} : memref<256xi32, #tpu.memory_space<vmem>>, vector<16xi32>,
    %gather3A_199 = tpu.vector_load_idx %arg8[%get3A_196] : memref<6912xi32, #tpu.memory_space<vmem>>[vector<16xi32>], vector<16xi32>,
    %mul3A_200 = arith.constant 6890 : i32
    %mul3A_201 = vector.broadcast %mul3A_200 : i32 to vector<16xi32>
    %mul3A_202 = arith.muli %gather3A_199, %mul3A_201 : vector<16xi32>
    %add3A_203 = arith.addi %mul3A_202, %get3A_198 : vector<16xi32>
    %swap3A_204 = arith.constant 1 : i32
    %swap3A_205 = arith.index_cast %swap3A_204 : i32 to index
    %swap3A_206 = arith.constant 112 : index
    %swap3A_207 = tpu.vector_load %arg11[%swap3A_205, %swap3A_206] {strides = array<i32>} : memref<2x128xi32, #tpu.memory_space<vmem>>, vector<16xi32>,
    tpu.vector_store %arg11[%swap3A_205, %swap3A_206], %add3A_203 {strides = array<i32>} : memref<2x128xi32, #tpu.memory_space<vmem>>, vector<16xi32>,
    %dma_start3A = arith.constant 0 : i32
    %dma_start3A_208 = arith.constant 0 : i32
    %dma_start3A_209 = arith.constant 0 : i32
    %dma_start3A_210 = tpu.memref_slice %arg12[%dma_start3A_208, %dma_start3A_209] : memref<2x128xf32, #tpu.memory_space<vmem>> -> memref<1x128xf32, #tpu.memory_space<vmem>>
    %dma_start3A_211 = tpu.memref_squeeze %dma_start3A_210 : memref<1x128xf32, #tpu.memory_space<vmem>> -> memref<128xf32, #tpu.memory_space<vmem>>
    %dma_start3A_212 = arith.constant 0 : i32
    %dma_start3A_213 = tpu.memref_slice %arg11[%dma_start3A, %dma_start3A_212] : memref<2x128xi32, #tpu.memory_space<vmem>> -> memref<1x128xi32, #tpu.memory_space<vmem>>
    %dma_start3A_214 = tpu.memref_squeeze %dma_start3A_213 : memref<1x128xi32, #tpu.memory_space<vmem>> -> memref<128xi32, #tpu.memory_space<vmem>>
    %dma_start3A_215 = arith.constant 0 : i32
    %dma_start3A_216 = tpu.memref_slice %arg5[%dma_start3A_215] : memref<47472100xf32, #tpu.memory_space<hbm>> -> memref<47472100xf32, #tpu.memory_space<hbm>>
    tpu.enqueue_indirect_dma source(%dma_start3A_216 : memref<47472100xf32, #tpu.memory_space<hbm>>) target(%dma_start3A_211 : memref<128xf32, #tpu.memory_space<vmem>>) offsets(%dma_start3A_214 : memref<128xi32, #tpu.memory_space<vmem>>) semaphore(%arg18 : memref<!tpu.dma_semaphore, #tpu.memory_space<semaphore_mem>>)
    %dma_start3A_217 = arith.constant 1 : i32
    %dma_start3A_218 = arith.constant 1 : i32
    %dma_start3A_219 = arith.constant 0 : i32
    %dma_start3A_220 = tpu.memref_slice %arg12[%dma_start3A_218, %dma_start3A_219] : memref<2x128xf32, #tpu.memory_space<vmem>> -> memref<1x128xf32, #tpu.memory_space<vmem>>
    %dma_start3A_221 = tpu.memref_squeeze %dma_start3A_220 : memref<1x128xf32, #tpu.memory_space<vmem>> -> memref<128xf32, #tpu.memory_space<vmem>>
    %dma_start3A_222 = arith.constant 0 : i32
    %dma_start3A_223 = tpu.memref_slice %arg11[%dma_start3A_217, %dma_start3A_222] : memref<2x128xi32, #tpu.memory_space<vmem>> -> memref<1x128xi32, #tpu.memory_space<vmem>>
    %dma_start3A_224 = tpu.memref_squeeze %dma_start3A_223 : memref<1x128xi32, #tpu.memory_space<vmem>> -> memref<128xi32, #tpu.memory_space<vmem>>
    %dma_start3A_225 = arith.constant 0 : i32
    %dma_start3A_226 = tpu.memref_slice %arg5[%dma_start3A_225] : memref<47472100xf32, #tpu.memory_space<hbm>> -> memref<47472100xf32, #tpu.memory_space<hbm>>
    tpu.enqueue_indirect_dma source(%dma_start3A_226 : memref<47472100xf32, #tpu.memory_space<hbm>>) target(%dma_start3A_221 : memref<128xf32, #tpu.memory_space<vmem>>) offsets(%dma_start3A_224 : memref<128xi32, #tpu.memory_space<vmem>>) semaphore(%arg18 : memref<!tpu.dma_semaphore, #tpu.memory_space<semaphore_mem>>)
    %dma_wait3A = arith.constant 0 : i32
    %dma_wait3A_227 = arith.constant 0 : i32
    %dma_wait3A_228 = arith.constant 0 : i32
    %dma_wait3A_229 = tpu.memref_slice %arg12[%dma_wait3A_227, %dma_wait3A_228] : memref<2x128xf32, #tpu.memory_space<vmem>> -> memref<1x128xf32, #tpu.memory_space<vmem>>
    %dma_wait3A_230 = tpu.memref_squeeze %dma_wait3A_229 : memref<1x128xf32, #tpu.memory_space<vmem>> -> memref<128xf32, #tpu.memory_space<vmem>>
    %dma_wait3A_231 = arith.constant 0 : i32
    %dma_wait3A_232 = tpu.memref_slice %arg11[%dma_wait3A, %dma_wait3A_231] : memref<2x128xi32, #tpu.memory_space<vmem>> -> memref<1x128xi32, #tpu.memory_space<vmem>>
    %dma_wait3A_233 = tpu.memref_squeeze %dma_wait3A_232 : memref<1x128xi32, #tpu.memory_space<vmem>> -> memref<128xi32, #tpu.memory_space<vmem>>
    %dma_wait3A_234 = arith.constant 0 : i32
    %dma_wait3A_235 = tpu.memref_slice %arg5[%dma_wait3A_234] : memref<47472100xf32, #tpu.memory_space<hbm>> -> memref<47472100xf32, #tpu.memory_space<hbm>>
    tpu.wait_indirect_dma semaphore(%arg18 : memref<!tpu.dma_semaphore, #tpu.memory_space<semaphore_mem>>) src(%dma_wait3A_235 : memref<47472100xf32, #tpu.memory_space<hbm>>) dst(%dma_wait3A_230 : memref<128xf32, #tpu.memory_space<vmem>>)
    %dma_wait3A_236 = arith.constant 1 : i32
    %dma_wait3A_237 = arith.constant 1 : i32
    %dma_wait3A_238 = arith.constant 0 : i32
    %dma_wait3A_239 = tpu.memref_slice %arg12[%dma_wait3A_237, %dma_wait3A_238] : memref<2x128xf32, #tpu.memory_space<vmem>> -> memref<1x128xf32, #tpu.memory_space<vmem>>
    %dma_wait3A_240 = tpu.memref_squeeze %dma_wait3A_239 : memref<1x128xf32, #tpu.memory_space<vmem>> -> memref<128xf32, #tpu.memory_space<vmem>>
    %dma_wait3A_241 = arith.constant 0 : i32
    %dma_wait3A_242 = tpu.memref_slice %arg11[%dma_wait3A_236, %dma_wait3A_241] : memref<2x128xi32, #tpu.memory_space<vmem>> -> memref<1x128xi32, #tpu.memory_space<vmem>>
    %dma_wait3A_243 = tpu.memref_squeeze %dma_wait3A_242 : memref<1x128xi32, #tpu.memory_space<vmem>> -> memref<128xi32, #tpu.memory_space<vmem>>
    %dma_wait3A_244 = arith.constant 0 : i32
    %dma_wait3A_245 = tpu.memref_slice %arg5[%dma_wait3A_244] : memref<47472100xf32, #tpu.memory_space<hbm>> -> memref<47472100xf32, #tpu.memory_space<hbm>>
    tpu.wait_indirect_dma semaphore(%arg18 : memref<!tpu.dma_semaphore, #tpu.memory_space<semaphore_mem>>) src(%dma_wait3A_245 : memref<47472100xf32, #tpu.memory_space<hbm>>) dst(%dma_wait3A_240 : memref<128xf32, #tpu.memory_space<vmem>>)
    %broadcast_in_dim3A = arith.constant 0.000000e+00 : f32
    %broadcast_in_dim3A_246 = vector.broadcast %broadcast_in_dim3A : f32 to vector<16xf32>
    %get3A_247 = arith.constant 0 : i32
    %get3A_248 = arith.index_cast %get3A_247 : i32 to index
    %get3A_249 = arith.constant 0 : index
    %get3A_250 = tpu.vector_load %arg12[%get3A_248, %get3A_249] {strides = array<i32>} : memref<2x128xf32, #tpu.memory_space<vmem>>, vector<16xf32>,
    %get3A_251 = arith.constant 0 : index
    %get3A_252 = tpu.vector_load %arg13[%get3A_251] {strides = array<i32>} : memref<256xf32, #tpu.memory_space<vmem>>, vector<16xf32>,
    %mul3A_253 = arith.mulf %get3A_250, %get3A_252 : vector<16xf32>
    %add3A_254 = arith.addf %broadcast_in_dim3A_246, %mul3A_253 : vector<16xf32>
    %get3A_255 = arith.constant 0 : i32
    %get3A_256 = arith.index_cast %get3A_255 : i32 to index
    %get3A_257 = arith.constant 16 : index
    %get3A_258 = tpu.vector_load %arg12[%get3A_256, %get3A_257] {strides = array<i32>} : memref<2x128xf32, #tpu.memory_space<vmem>>, vector<16xf32>,
    %get3A_259 = arith.constant 16 : index
    %get3A_260 = tpu.vector_load %arg13[%get3A_259] {strides = array<i32>} : memref<256xf32, #tpu.memory_space<vmem>>, vector<16xf32>,
    %mul3A_261 = arith.mulf %get3A_258, %get3A_260 : vector<16xf32>
    %add3A_262 = arith.addf %add3A_254, %mul3A_261 : vector<16xf32>
    %get3A_263 = arith.constant 0 : i32
    %get3A_264 = arith.index_cast %get3A_263 : i32 to index
    %get3A_265 = arith.constant 32 : index
    %get3A_266 = tpu.vector_load %arg12[%get3A_264, %get3A_265] {strides = array<i32>} : memref<2x128xf32, #tpu.memory_space<vmem>>, vector<16xf32>,
    %get3A_267 = arith.constant 32 : index
    %get3A_268 = tpu.vector_load %arg13[%get3A_267] {strides = array<i32>} : memref<256xf32, #tpu.memory_space<vmem>>, vector<16xf32>,
    %mul3A_269 = arith.mulf %get3A_266, %get3A_268 : vector<16xf32>
    %add3A_270 = arith.addf %add3A_262, %mul3A_269 : vector<16xf32>
    %get3A_271 = arith.constant 0 : i32
    %get3A_272 = arith.index_cast %get3A_271 : i32 to index
    %get3A_273 = arith.constant 48 : index
    %get3A_274 = tpu.vector_load %arg12[%get3A_272, %get3A_273] {strides = array<i32>} : memref<2x128xf32, #tpu.memory_space<vmem>>, vector<16xf32>,
    %get3A_275 = arith.constant 48 : index
    %get3A_276 = tpu.vector_load %arg13[%get3A_275] {strides = array<i32>} : memref<256xf32, #tpu.memory_space<vmem>>, vector<16xf32>,
    %mul3A_277 = arith.mulf %get3A_274, %get3A_276 : vector<16xf32>
    %add3A_278 = arith.addf %add3A_270, %mul3A_277 : vector<16xf32>
    %get3A_279 = arith.constant 0 : i32
    %get3A_280 = arith.index_cast %get3A_279 : i32 to index
    %get3A_281 = arith.constant 64 : index
    %get3A_282 = tpu.vector_load %arg12[%get3A_280, %get3A_281] {strides = array<i32>} : memref<2x128xf32, #tpu.memory_space<vmem>>, vector<16xf32>,
    %get3A_283 = arith.constant 64 : index
    %get3A_284 = tpu.vector_load %arg13[%get3A_283] {strides = array<i32>} : memref<256xf32, #tpu.memory_space<vmem>>, vector<16xf32>,
    %mul3A_285 = arith.mulf %get3A_282, %get3A_284 : vector<16xf32>
    %add3A_286 = arith.addf %add3A_278, %mul3A_285 : vector<16xf32>
    %get3A_287 = arith.constant 0 : i32
    %get3A_288 = arith.index_cast %get3A_287 : i32 to index
    %get3A_289 = arith.constant 80 : index
    %get3A_290 = tpu.vector_load %arg12[%get3A_288, %get3A_289] {strides = array<i32>} : memref<2x128xf32, #tpu.memory_space<vmem>>, vector<16xf32>,
    %get3A_291 = arith.constant 80 : index
    %get3A_292 = tpu.vector_load %arg13[%get3A_291] {strides = array<i32>} : memref<256xf32, #tpu.memory_space<vmem>>, vector<16xf32>,
    %mul3A_293 = arith.mulf %get3A_290, %get3A_292 : vector<16xf32>
    %add3A_294 = arith.addf %add3A_286, %mul3A_293 : vector<16xf32>
    %get3A_295 = arith.constant 0 : i32
    %get3A_296 = arith.index_cast %get3A_295 : i32 to index
    %get3A_297 = arith.constant 96 : index
    %get3A_298 = tpu.vector_load %arg12[%get3A_296, %get3A_297] {strides = array<i32>} : memref<2x128xf32, #tpu.memory_space<vmem>>, vector<16xf32>,
    %get3A_299 = arith.constant 96 : index
    %get3A_300 = tpu.vector_load %arg13[%get3A_299] {strides = array<i32>} : memref<256xf32, #tpu.memory_space<vmem>>, vector<16xf32>,
    %mul3A_301 = arith.mulf %get3A_298, %get3A_300 : vector<16xf32>
    %add3A_302 = arith.addf %add3A_294, %mul3A_301 : vector<16xf32>
    %get3A_303 = arith.constant 0 : i32
    %get3A_304 = arith.index_cast %get3A_303 : i32 to index
    %get3A_305 = arith.constant 112 : index
    %get3A_306 = tpu.vector_load %arg12[%get3A_304, %get3A_305] {strides = array<i32>} : memref<2x128xf32, #tpu.memory_space<vmem>>, vector<16xf32>,
    %get3A_307 = arith.constant 112 : index
    %get3A_308 = tpu.vector_load %arg13[%get3A_307] {strides = array<i32>} : memref<256xf32, #tpu.memory_space<vmem>>, vector<16xf32>,
    %mul3A_309 = arith.mulf %get3A_306, %get3A_308 : vector<16xf32>
    %add3A_310 = arith.addf %add3A_302, %mul3A_309 : vector<16xf32>
    %get3A_311 = arith.constant 1 : i32
    %get3A_312 = arith.index_cast %get3A_311 : i32 to index
    %get3A_313 = arith.constant 0 : index
    %get3A_314 = tpu.vector_load %arg12[%get3A_312, %get3A_313] {strides = array<i32>} : memref<2x128xf32, #tpu.memory_space<vmem>>, vector<16xf32>,
    %get3A_315 = arith.constant 128 : index
    %get3A_316 = tpu.vector_load %arg13[%get3A_315] {strides = array<i32>} : memref<256xf32, #tpu.memory_space<vmem>>, vector<16xf32>,
    %mul3A_317 = arith.mulf %get3A_314, %get3A_316 : vector<16xf32>
    %add3A_318 = arith.addf %add3A_310, %mul3A_317 : vector<16xf32>
    %get3A_319 = arith.constant 1 : i32
    %get3A_320 = arith.index_cast %get3A_319 : i32 to index
    %get3A_321 = arith.constant 16 : index
    %get3A_322 = tpu.vector_load %arg12[%get3A_320, %get3A_321] {strides = array<i32>} : memref<2x128xf32, #tpu.memory_space<vmem>>, vector<16xf32>,
    %get3A_323 = arith.constant 144 : index
    %get3A_324 = tpu.vector_load %arg13[%get3A_323] {strides = array<i32>} : memref<256xf32, #tpu.memory_space<vmem>>, vector<16xf32>,
    %mul3A_325 = arith.mulf %get3A_322, %get3A_324 : vector<16xf32>
    %add3A_326 = arith.addf %add3A_318, %mul3A_325 : vector<16xf32>
    %get3A_327 = arith.constant 1 : i32
    %get3A_328 = arith.index_cast %get3A_327 : i32 to index
    %get3A_329 = arith.constant 32 : index
    %get3A_330 = tpu.vector_load %arg12[%get3A_328, %get3A_329] {strides = array<i32>} : memref<2x128xf32, #tpu.memory_space<vmem>>, vector<16xf32>,
    %get3A_331 = arith.constant 160 : index
    %get3A_332 = tpu.vector_load %arg13[%get3A_331] {strides = array<i32>} : memref<256xf32, #tpu.memory_space<vmem>>, vector<16xf32>,
    %mul3A_333 = arith.mulf %get3A_330, %get3A_332 : vector<16xf32>
    %add3A_334 = arith.addf %add3A_326, %mul3A_333 : vector<16xf32>
    %get3A_335 = arith.constant 1 : i32
    %get3A_336 = arith.index_cast %get3A_335 : i32 to index
    %get3A_337 = arith.constant 48 : index
    %get3A_338 = tpu.vector_load %arg12[%get3A_336, %get3A_337] {strides = array<i32>} : memref<2x128xf32, #tpu.memory_space<vmem>>, vector<16xf32>,
    %get3A_339 = arith.constant 176 : index
    %get3A_340 = tpu.vector_load %arg13[%get3A_339] {strides = array<i32>} : memref<256xf32, #tpu.memory_space<vmem>>, vector<16xf32>,
    %mul3A_341 = arith.mulf %get3A_338, %get3A_340 : vector<16xf32>
    %add3A_342 = arith.addf %add3A_334, %mul3A_341 : vector<16xf32>
    %get3A_343 = arith.constant 1 : i32
    %get3A_344 = arith.index_cast %get3A_343 : i32 to index
    %get3A_345 = arith.constant 64 : index
    %get3A_346 = tpu.vector_load %arg12[%get3A_344, %get3A_345] {strides = array<i32>} : memref<2x128xf32, #tpu.memory_space<vmem>>, vector<16xf32>,
    %get3A_347 = arith.constant 192 : index
    %get3A_348 = tpu.vector_load %arg13[%get3A_347] {strides = array<i32>} : memref<256xf32, #tpu.memory_space<vmem>>, vector<16xf32>,
    %mul3A_349 = arith.mulf %get3A_346, %get3A_348 : vector<16xf32>
    %add3A_350 = arith.addf %add3A_342, %mul3A_349 : vector<16xf32>
    %get3A_351 = arith.constant 1 : i32
    %get3A_352 = arith.index_cast %get3A_351 : i32 to index
    %get3A_353 = arith.constant 80 : index
    %get3A_354 = tpu.vector_load %arg12[%get3A_352, %get3A_353] {strides = array<i32>} : memref<2x128xf32, #tpu.memory_space<vmem>>, vector<16xf32>,
    %get3A_355 = arith.constant 208 : index
    %get3A_356 = tpu.vector_load %arg13[%get3A_355] {strides = array<i32>} : memref<256xf32, #tpu.memory_space<vmem>>, vector<16xf32>,
    %mul3A_357 = arith.mulf %get3A_354, %get3A_356 : vector<16xf32>
    %add3A_358 = arith.addf %add3A_350, %mul3A_357 : vector<16xf32>
    %get3A_359 = arith.constant 1 : i32
    %get3A_360 = arith.index_cast %get3A_359 : i32 to index
    %get3A_361 = arith.constant 96 : index
    %get3A_362 = tpu.vector_load %arg12[%get3A_360, %get3A_361] {strides = array<i32>} : memref<2x128xf32, #tpu.memory_space<vmem>>, vector<16xf32>,
    %get3A_363 = arith.constant 224 : index
    %get3A_364 = tpu.vector_load %arg13[%get3A_363] {strides = array<i32>} : memref<256xf32, #tpu.memory_space<vmem>>, vector<16xf32>,
    %mul3A_365 = arith.mulf %get3A_362, %get3A_364 : vector<16xf32>
    %add3A_366 = arith.addf %add3A_358, %mul3A_365 : vector<16xf32>
    %get3A_367 = arith.constant 1 : i32
    %get3A_368 = arith.index_cast %get3A_367 : i32 to index
    %get3A_369 = arith.constant 112 : index
    %get3A_370 = tpu.vector_load %arg12[%get3A_368, %get3A_369] {strides = array<i32>} : memref<2x128xf32, #tpu.memory_space<vmem>>, vector<16xf32>,
    %get3A_371 = arith.constant 240 : index
    %get3A_372 = tpu.vector_load %arg13[%get3A_371] {strides = array<i32>} : memref<256xf32, #tpu.memory_space<vmem>>, vector<16xf32>,
    %mul3A_373 = arith.mulf %get3A_370, %get3A_372 : vector<16xf32>
    %add3A_374 = arith.addf %add3A_366, %mul3A_373 : vector<16xf32>
    %swap3A_375 = arith.constant 0 : index
    %swap3A_376 = tpu.vector_load %arg14[%swap3A_375] {strides = array<i32>} : memref<16xf32, #tpu.memory_space<vmem>>, vector<16xf32>,
    tpu.vector_store %arg14[%swap3A_375], %add3A_374 {strides = array<i32>} : memref<16xf32, #tpu.memory_space<vmem>>, vector<16xf32>,
    "tpu.region"() ({
      %run_scoped3A = tpu.sem_alloc : memref<!tpu.dma_semaphore, #tpu.memory_space<semaphore_mem>>
      %dma_start3A_377 = arith.constant 0 : i32
      %dma_start3A_378 = tpu.memref_slice %arg7[%add3A, %dma_start3A_377] : memref<32x16xf32, #tpu.memory_space<hbm>> -> memref<1x16xf32, #tpu.memory_space<hbm>>
      %dma_start3A_379 = tpu.memref_squeeze %dma_start3A_378 : memref<1x16xf32, #tpu.memory_space<hbm>> -> memref<16xf32, #tpu.memory_space<hbm>>
      %dma_start3A_380 = arith.constant 0 : i32
      %dma_start3A_381 = tpu.memref_slice %arg7[%add3A, %dma_start3A_380] : memref<32x16xf32, #tpu.memory_space<hbm>> -> memref<1x16xf32, #tpu.memory_space<hbm>>
      %dma_start3A_382 = tpu.memref_squeeze %dma_start3A_381 : memref<1x16xf32, #tpu.memory_space<hbm>> -> memref<16xf32, #tpu.memory_space<hbm>>
      tpu.enqueue_dma source(%arg14 : memref<16xf32, #tpu.memory_space<vmem>>) target(%dma_start3A_382 : memref<16xf32, #tpu.memory_space<hbm>>) target_semaphore(%run_scoped3A : memref<!tpu.dma_semaphore, #tpu.memory_space<semaphore_mem>>)
      %dma_wait3A_383 = arith.constant 0 : i32
      %dma_wait3A_384 = tpu.memref_slice %arg7[%add3A, %dma_wait3A_383] : memref<32x16xf32, #tpu.memory_space<hbm>> -> memref<1x16xf32, #tpu.memory_space<hbm>>
      %dma_wait3A_385 = tpu.memref_squeeze %dma_wait3A_384 : memref<1x16xf32, #tpu.memory_space<hbm>> -> memref<16xf32, #tpu.memory_space<hbm>>
      %dma_wait3A_386 = arith.constant 0 : i32
      %dma_wait3A_387 = tpu.memref_slice %arg7[%add3A, %dma_wait3A_386] : memref<32x16xf32, #tpu.memory_space<hbm>> -> memref<1x16xf32, #tpu.memory_space<hbm>>
      %dma_wait3A_388 = tpu.memref_squeeze %dma_wait3A_387 : memref<1x16xf32, #tpu.memory_space<hbm>> -> memref<16xf32, #tpu.memory_space<hbm>>
      tpu.wait_dma2 semaphore(%run_scoped3A : memref<!tpu.dma_semaphore, #tpu.memory_space<semaphore_mem>>) src(%arg14 : memref<16xf32, #tpu.memory_space<vmem>>) dst(%dma_wait3A_388 : memref<16xf32, #tpu.memory_space<hbm>>)
      tpu.yield
    }) : () -> ()
    return
  }
}

</mosaic_0001>

<sc_bundles>
// kernel: kernel.3.cloned.1.call-start
scs
__scs_entry_jumppad:
0x0: {  	(pc) =	sbr.rel $0x88, $3  }
0x1: {  	(tag) =	ssettag $0x0;
	lr =	simm.s32 $0x1  }
0x2: {  	[smem:$0x3F9D] =	sst lr;
	_ =	strace $0xD0000000  }
0x3: {  	_ = 	snop  }
0x4: {  	_ = 	snop  }
0x5: {  	_ = 	snop  }
0x6: {  	_ = 	snop  }
0x7: {  	_ = 	snop  }
__scs_overlays_trampoline_lowered:
0x8: {  	[smem:$0x3FAC] =	sst s0  }
0x9: {  	[smem:$0x3FAD] =	sst s1  }
0xa: {  	[smem:$0x3FAE] =	sst s2  }
0xb: {  	[smem:$0x3FAF] =	sst s3  }
0xc: {  	[smem:$0x3FB0] =	sst s4  }
0xd: {  	[smem:$0x3FB1] =	sst s5  }
0xe: {  	[smem:$0x3FB2] =	sst s6  }
0xf: {  	[smem:$0x3FB3] =	sst s7  }
0x10: {  	[smem:$0x3FB4] =	sst s8  }
0x11: {  	[smem:$0x3FB5] =	sst s9;
	s0 =	simm.s32 @!p0 $0x0  }
0x12: {  	s1 =	sld [smem:$0x3F9B];
	s0 =	simm.s32 @p0 $0x1  }
0x13: {  	[smem:$0x3FB6] =	sst s0;
	s0 =	simm.s32 @!p1 $0x0  }
0x14: {  	s2 =	sld [smem:$0x3F9A];
	s0 =	simm.s32 @p1 $0x1  }
0x15: {  	[smem:$0x3FB7] =	sst s0;
	s0 =	simm.s32 @!p2 $0x0  }
0x16: {  	s3 =	sld [smem:$0x3FDB];
	s0 =	simm.s32 @p2 $0x1  }
0x17: {  	s4 =	simm.s32 $0x1BF5;
	[smem:$0x3FB9] =	sst s0  }
0x18: {  	s0 =	sld [smem:$0x3F9C];
	_ =	swait.ge [sflag:s4], $0x0  }
0x19: {  	s7 =	sld [smem:$0x3F9D]  }
0x1a: {  	s8 =	sadd.s32 $0xFFFFE003, lr  }
0x1b: {  	s9 =	sadd.s32 $0xFFFFFEF7, lr;
	s5 =	simm.s32 $0xFFFFFFFF;
	p2 =	slt.u32 s8, $0xFFFFF086  }
0x1c: {  	p1 =	slt.u32 s9, $0xF7A;
	s5 =	simm.s32 @!p2 $0x0  }
0x1d: {  	s5 =	simm.s32 @p1 $0x1;
	p0 =	seq.s32 s7, s2  }
0x1e: {  	s7 =	smul.u32 @!p0 $0xF7A, s2;
	p2 =	seq.s32 @!p0 s5, $0x0  }
0x1f: {  	s9 =	smul.u32 $0xF7A, s1;
	s8 =	simm.s32 @!p0 $0x1BF5;
	p2 =	por !p2, p0  }
0x20: {  	[sflag:s8] =	ssyncset.s32 @!p0 $0xFFFFF086;
	s6 =	sadd.s32 @!p0 s3, s7;
	s7 =	simm.s32 @!p0 $0x108  }
0x21: {  	s3 =	sadd.s32 s3, s9;
	s6 =	sadd.s32 @!p0 $0x88, s6;
	s7 =	simm.s32 @p2 $0x1082  }
0x22: {  	[simem:s7], [sflag:s8] =	dma.local @!p0 [hbm:s6], $0xF7A  }
0x23: {  	s9 =	sor.u32 $0xD0000000, s2;
	s6 =	simm.s32 $0x108;
	_ =	swait.ge @!p0 [sflag:s8], $0x0  }
0x24: {  	s3 =	sadd.s32 $0x88, s3;
	s6 =	simm.s32 @!p1 $0x1082;
	[sflag:s4] =	ssyncset.s32 $0xFFFFF086  }
0x25: {  	[simem:s6], [sflag:s4] =	dma.local [hbm:s3], $0xF7A  }
0x26: {  	[smem:$0x3F9D] =	sst s1;
	(tag) =	ssettag s2;
	_ =	strace s9  }
0x27: {  	s1 =	sld [smem:$0x3FAD]  }
0x28: {  	s2 =	sld [smem:$0x3FAE]  }
0x29: {  	s4 =	sld [smem:$0x3FB0]  }
0x2a: {  	p0 =	seq.s32 s5, $0x0;
	s5 =	sld [smem:$0x3FB1]  }
0x2b: {  	s6 =	sld [smem:$0x3FB2]  }
0x2c: {  	s7 =	sld [smem:$0x3FB3]  }
0x2d: {  	s3 =	simm.s32 $0x108;
	s8 =	sld [smem:$0x3FB4]  }
0x2e: {  	s3 =	simm.s32 @!p0 $0x1082;
	s9 =	sld [smem:$0x3FB5]  }
0x2f: {  	lr =	sadd.s32 s0, s3;
	s0 =	sld [smem:$0x3FAC]  }
0x30: {  	s3 =	sld [smem:$0x3FAF]  }
0x31: {  	[smem:$0x3FB8] =	sst s10  }
0x32: {  	s10 =	sld [smem:$0x3FB6];
	_ =	sdelay $0x3  }
0x33: {  	p0 =	seq.s32 s10, $0x1;
	s10 =	sld [smem:$0x3FB8];
	_ =	sdelay $0x3  }
0x34: {  	[smem:$0x3FB8] =	sst s10  }
0x35: {  	s10 =	sld [smem:$0x3FB7];
	_ =	sdelay $0x3  }
0x36: {  	p1 =	seq.s32 s10, $0x1;
	s10 =	sld [smem:$0x3FB8];
	_ =	sdelay $0x3  }
0x37: {  	[smem:$0x3FB8] =	sst s10  }
0x38: {  	s10 =	sld [smem:$0x3FB9]  }
0x39: {  	_ = 	snop;
	(pc) =	sbr.ind lr, $3  }
0x3a: {  	_ = 	snop  }
0x3b: {  	_ = 	snop  }
0x3c: {  	p2 =	seq.s32 s10, $0x1;
	s10 =	sld [smem:$0x3FB8]  }
0x3d: {  	_ =	shalt  }
0x3e: {  	_ =	shalt  }
0x3f: {  	_ =	shalt  }
0x40: {  	_ =	shalt  }
0x41: {  	_ =	shalt  }
0x42: {  	_ =	shalt  }
0x43: {  	_ =	shalt  }
0x44: {  	_ =	shalt  }
0x45: {  	_ =	shalt  }
0x46: {  	_ =	shalt  }
0x47: {  	_ =	shalt  }
0x48: {  	_ =	shalt  }
0x49: {  	_ =	shalt  }
0x4a: {  	_ =	shalt  }
0x4b: {  	_ =	shalt  }
0x4c: {  	_ =	shalt  }
0x4d: {  	_ =	shalt  }
0x4e: {  	_ =	shalt  }
0x4f: {  	_ =	shalt  }
0x50: {  	_ =	shalt  }
0x51: {  	_ =	shalt  }
0x52: {  	_ =	shalt  }
0x53: {  	_ =	shalt  }
0x54: {  	_ =	shalt  }
0x55: {  	_ =	shalt  }
0x56: {  	_ =	shalt  }
0x57: {  	_ =	shalt  }
0x58: {  	_ =	shalt  }
0x59: {  	_ =	shalt  }
0x5a: {  	_ =	shalt  }
0x5b: {  	_ =	shalt  }
0x5c: {  	_ =	shalt  }
0x5d: {  	_ =	shalt  }
0x5e: {  	_ =	shalt  }
0x5f: {  	_ =	shalt  }
0x60: {  	_ =	shalt  }
0x61: {  	_ =	shalt  }
0x62: {  	_ =	shalt  }
0x63: {  	_ =	shalt  }
0x64: {  	_ =	shalt  }
0x65: {  	_ =	shalt  }
0x66: {  	_ =	shalt  }
0x67: {  	_ =	shalt  }
0x68: {  	_ =	shalt  }
0x69: {  	_ =	shalt  }
0x6a: {  	_ =	shalt  }
0x6b: {  	_ =	shalt  }
0x6c: {  	_ =	shalt  }
0x6d: {  	_ =	shalt  }
0x6e: {  	_ =	shalt  }
0x6f: {  	_ =	shalt  }
0x70: {  	_ =	shalt  }
0x71: {  	_ =	shalt  }
0x72: {  	_ =	shalt  }
0x73: {  	_ =	shalt  }
0x74: {  	_ =	shalt  }
0x75: {  	_ =	shalt  }
0x76: {  	_ =	shalt  }
0x77: {  	_ =	shalt  }
0x78: {  	_ =	shalt  }
0x79: {  	_ =	shalt  }
0x7a: {  	_ =	shalt  }
0x7b: {  	_ =	shalt  }
0x7c: {  	_ =	shalt  }
0x7d: {  	_ =	shalt  }
0x7e: {  	_ =	shalt  }
0x7f: {  	_ =	shalt  }
0x80: {  	_ =	shalt  }
0x81: {  	_ =	shalt  }
0x82: {  	_ =	shalt  }
0x83: {  	_ =	shalt  }
0x84: {  	_ =	shalt  }
0x85: {  	_ =	shalt  }
0x86: {  	_ =	shalt  }
0x87: {  	_ =	shalt  }
.Lfunc_end0:
.L_simem_size_0:
called_computation_lowered:
.L_overlay_start_0:
0x88: {  	s2 =	sld [smem:$0x3FD9]  }
0x89: {  	s3 =	sld [smem:$0x3FFE];
	_ =	sdelay $0x1  }
0x8a: {  	s1 =	srdreg.scid  }
0x8b: {  	s0 =	sand.u32 $0x1, s1  }
0x8c: {  	s16 =	sshll.u32 s0, $0xA;
	s2 =	sadd.s32 s3, s2  }
0x8d: {  	s2 =	sadd.s32 s2, s16  }
0x8e: {  	[smem:$0x3FC4] =	sst s2  }
0x8f: {  	_ = 	snop  }
0x90: {  	(tm) =	ssettm $0x1  }
0x91: {  	s17 =	sld [smem:$0x3FFB];
	_ =	sdelay $0x3  }
0x92: {  	_ =	strace s17  }
0x93: {  	s2 =	sld [smem:$0x3FFC];
	_ =	sdelay $0x3  }
0x94: {  	_ =	strace s2  }
0x95: {  	s2 =	sld [smem:$0x3FFD];
	_ =	sdelay $0x3  }
0x96: {  	_ =	strace s2  }
0x97: {  	_ =	strace $0x8FFFFFFF  }
0x98: {  	s18 =	sld [smem:$0x3FDB];
	_ =	sdelay $0x1  }
0x99: {  	s19 =	simm.s32 $_scs_section_size  }
0x9a: {  	s4 =	simm.s32 $_size__tile_overlayer_lowered;
	s5 =	simm.s32 $_tile_overlayer_lowered  }
0x9b: {  	s22 =	simm.s32 $0x1BFF;
	s21 =	sshll.u32 s5, $0x1;
	s2 =	sadd.s32 s19, s18  }
0x9c: {  	s6 =	simm.s32 $0x0;
	s20 =	sshll.u32 s4, $0x1;
	s4 =	sadd.s32 s21, s2  }
0x9d: {  	[timem:s6], [sflag:s22] =	dma.local [hbm:s4], s20  }
0x9e: {  	_ =	swait.ge [sflag:s22], s20  }
0x9f: {  	s3 =	ssub.s32 $0x0, s20;
	[sflag:s22] =	ssyncset.done $0x0  }
0xa0: {  	[sflag:s22] =	ssyncadd.s32 s3;
	_ =	sdelay $0x1  }
0xa1: {  	s23 =	simm.s32 $0x1B8B  }
0xa2: {  	_ =	swait.ge [sflag:s23], $0x1  }
0xa3: {  	[sflag:s23] =	ssyncset.done $0x0  }
0xa4: {  	s25 =	simm.s32 $0x1B8E;
	s24 =	sld [smem:$0x3FFE];
	[sflag:s23] =	ssyncadd.s32 $0xFFFFFFFF  }
0xa5: {  	s26 =	simm.s32 $execute0_lowered;
	[smem:$0x3FD2] =	sst s25  }
0xa6: {  	s4 =	sshll.u32 s26, $0x1;
	_ =	strace $0x80000046;
	[dreg:$0x1] =	wrdreg $0xFFFFFFFF  }
0xa7: {  	s28 =	simm.s32 $_size_execute0_lowered;
	s2 =	sadd.s32 s2, s4;
	[dreg:$0x0] =	wrdreg $0x0  }
0xa8: {  	s4 =	sshll.u32 s28, $0x1;
	[dreg:$0x2] =	wrdreg s2  }
0xa9: {  	[dreg:$0x3] =	wrdreg s4  }
0xaa: {  	[dreg:$0x4] =	wrdreg $0xC0  }
0xab: {  	_ =	task [dreg:s6], $0x5FFFF  }
0xac: {  	[dreg:$0x1] =	wrdreg $0xFFFFFFFF  }
0xad: {  	[dreg:$0x0] =	wrdreg $0x60  }
0xae: {  	[dreg:$0x2] =	wrdreg s24  }
0xaf: {  	[dreg:$0x3] =	wrdreg $0x9  }
0xb0: {  	_ =	task.clear_ibuf [dreg:s6], $0x4FFFF;
	_ =	strace $0x90000046  }
0xb1: {  	s29 =	simm.s32 $0x9;
	_ =	strace $0x80000048  }
0xb2: {  	_ =	swait.ge [sflag:s29], $0x1  }
0xb3: {  	[sflag:s29] =	ssyncadd.s32 $0xFFFFFFFF  }
0xb4: {  	_ =	strace $0x90000048  }
0xb5: {  	_ =	sfence  }
0xb6: {  	s30 =	sld [smem:$0x0];
	_ =	sdelay $0x2  }
0xb7: {  	s31 =	sshll.u32 s1, $0xD;
	s1 =	sshrl.u32 s1, $0x2  }
0xb8: {  	s3 =	sand.u32 $0x4000, s31;
	s1 =	sadd.s32 s1, s30  }
0xb9: {  	s0 =	sor.u32 s3, s0;
	s1 =	sshll.u32 s1, $0x11  }
0xba: {  	s0 =	sor.u32 s1, s0  }
0xbb: {  	s0 =	sadd.s32 $0x8F2B, s0  }
0xbc: {  	[sflag:s0] =	ssyncadd.remote.s32 $0x1  }
0xbd: {  	_ =	sfence.sel $0xFFFF  }
0xbe: {  	[dreg:$0x0] =	wrdreg $0xFFFFFFFF;
	(pc) =	sbr.abs _section_cstart, $3  }
0xbf: {  	[dreg:$0x1] =	wrdreg $0xFFFFFFFF  }
0xc0: {  	_ =	task.clear_ibuf [dreg:s6], $0x2FFFF;
	_ =	strace $0x9FFFFFFF  }
0xc1: {  	(tm) =	ssettm $0x7FFFFFFF  }
tec
execute0_lowered:
.L_overlay_start_1:
0x0: {  	(tag) =	ssettag $0x1  }
0x1: {  	s18 =	rddreg [dreg:$0x0]  }
0x2: {  	s0 =	rddreg [dreg:$0x1];
	s2 =	simm.s32 $0x0;
	s3 =	srdreg.scid  }
0x3: {  	s1 =	stileid.u32;
	[smem:$0x7FF] =	sst s2  }
0x4: {  	s19 =	sand.u32 $0x1, s3;
	s30 =	sshll.u32 s1, $0x1;
	s4 =	sadd.s32 $0x400, s18  }
0x5: {  	s3 =	simm.s32 $0x2;
	_ =	strace $0x80000047;
	s20 =	sor.u32 s19, s30  }
0x6: {  	[tilespmem:s2], [sflag:$0x2] =	stream.linear.gather [hbm4b:s4+s2], $0x1B00, $0x38;
	[tilespmem:$0x2080] =	vst v63  }
0x7: {  	s5 =	sshll.u32 s20, $0x5;
	_ =	swait.ge [sflag:s3], $0x1B00  }
0x8: {  	s5 =	sadd.s32 s18, s5;
	[sflag:s3] =	ssyncset.done $0x0  }
0x9: {  	s7 =	simm.s32 $0x1B00;
	s6 =	sadd.s32 $0x800, s5;
	[sflag:s3] =	ssyncadd.s32 $0xFFFFE500  }
0xa: {  	[tilespmem:s7], [sflag:$0x2] =	stream.linear.gather [hbm4b:s6+s2], $0x100, $0x38;
	[tilespmem:$0x2080] =	vst v63  }
0xb: {  	_ =	swait.ge [sflag:s3], $0x100  }
0xc: {  	[sflag:s3] =	ssyncset.done $0x0  }
0xd: {  	s9 =	simm.s32 $0x1C00;
	s8 =	sadd.s32 $0xC00, s5;
	[sflag:s3] =	ssyncadd.s32 $0xFFFFFF00  }
0xe: {  	[tilespmem:s9], [sflag:$0x2] =	stream.linear.gather [hbm4b:s8+s2], $0x100, $0x38;
	[tilespmem:$0x2080] =	vst v63  }
0xf: {  	_ =	swait.ge [sflag:s3], $0x100  }
0x10: {  	[sflag:s3] =	ssyncset.done $0x0  }
0x11: {  	s10 =	simm.s32 $0x1F00;
	[sflag:s3] =	ssyncadd.s32 $0xFFFFFF00  }
0x12: {  	[tilespmem:s10], [sflag:$0x2] =	stream.linear.gather [hbm4b:s5+s2], $0x100, $0x38;
	[tilespmem:$0x2080] =	vst v63  }
0x13: {  	_ =	swait.ge [sflag:s3], $0x100  }
0x14: {  	[sflag:s3] =	ssyncset.done $0x0  }
0x15: {  	[sflag:s3] =	ssyncadd.s32 $0xFFFFFF00  }
0x16: {  	v0 =	vld [tilespmem:$0x1B00];
	_ =	sdelay $0x7  }
0x17: {  	v0 =	vld.idx.msk [tilespmem:v0+s2+$0x0], $0xffff  }
0x18: {  	v1 =	vld [tilespmem:$0x1B10]  }
0x19: {  	v2 =	vld [tilespmem:$0x1C00];
	_ =	sdelay $0x2  }
0x1a: {  	v0 =	vmul.u32 $0x1AEA, v0;
	_ =	sdelay $0x1  }
0x1b: {  	v0 =	vadd.s32 v2, v0  }
0x1c: {  	[tilespmem:$0x1D00] =	vst v0  }
0x1d: {  	v0 =	vld.idx.msk [tilespmem:v1+s2+$0x0], $0xffff  }
0x1e: {  	v7 =	vld [tilespmem:$0x1B20]  }
0x1f: {  	v8 =	vld [tilespmem:$0x1C10];
	_ =	sdelay $0x2  }
0x20: {  	v0 =	vmul.u32 $0x1AEA, v0;
	_ =	sdelay $0x1  }
0x21: {  	v0 =	vadd.s32 v8, v0  }
0x22: {  	[tilespmem:$0x1D10] =	vst v0  }
0x23: {  	v0 =	vld.idx.msk [tilespmem:v7+s2+$0x0], $0xffff  }
0x24: {  	v9 =	vld [tilespmem:$0x1B30]  }
0x25: {  	v10 =	vld [tilespmem:$0x1C20];
	_ =	sdelay $0x2  }
0x26: {  	v0 =	vmul.u32 $0x1AEA, v0;
	_ =	sdelay $0x1  }
0x27: {  	v0 =	vadd.s32 v10, v0  }
0x28: {  	[tilespmem:$0x1D20] =	vst v0  }
0x29: {  	v0 =	vld.idx.msk [tilespmem:v9+s2+$0x0], $0xffff  }
0x2a: {  	v11 =	vld [tilespmem:$0x1B40]  }
0x2b: {  	v12 =	vld [tilespmem:$0x1C30];
	_ =	sdelay $0x2  }
0x2c: {  	v0 =	vmul.u32 $0x1AEA, v0;
	_ =	sdelay $0x1  }
0x2d: {  	v0 =	vadd.s32 v12, v0  }
0x2e: {  	[tilespmem:$0x1D30] =	vst v0  }
0x2f: {  	v0 =	vld.idx.msk [tilespmem:v11+s2+$0x0], $0xffff  }
0x30: {  	v13 =	vld [tilespmem:$0x1B50]  }
0x31: {  	v14 =	vld [tilespmem:$0x1C40];
	_ =	sdelay $0x2  }
0x32: {  	v0 =	vmul.u32 $0x1AEA, v0;
	_ =	sdelay $0x1  }
0x33: {  	v0 =	vadd.s32 v14, v0  }
0x34: {  	[tilespmem:$0x1D40] =	vst v0  }
0x35: {  	v0 =	vld.idx.msk [tilespmem:v13+s2+$0x0], $0xffff  }
0x36: {  	v15 =	vld [tilespmem:$0x1B60]  }
0x37: {  	v16 =	vld [tilespmem:$0x1C50];
	_ =	sdelay $0x2  }
0x38: {  	v0 =	vmul.u32 $0x1AEA, v0;
	_ =	sdelay $0x1  }
0x39: {  	v0 =	vadd.s32 v16, v0  }
0x3a: {  	[tilespmem:$0x1D50] =	vst v0  }
0x3b: {  	v0 =	vld.idx.msk [tilespmem:v15+s2+$0x0], $0xffff  }
0x3c: {  	v17 =	vld [tilespmem:$0x1B70]  }
0x3d: {  	v18 =	vld [tilespmem:$0x1C60];
	_ =	sdelay $0x2  }
0x3e: {  	v0 =	vmul.u32 $0x1AEA, v0;
	_ =	sdelay $0x1  }
0x3f: {  	v0 =	vadd.s32 v18, v0  }
0x40: {  	[tilespmem:$0x1D60] =	vst v0  }
0x41: {  	v0 =	vld.idx.msk [tilespmem:v17+s2+$0x0], $0xffff  }
0x42: {  	v19 =	vld [tilespmem:$0x1B80]  }
0x43: {  	v20 =	vld [tilespmem:$0x1C70];
	_ =	sdelay $0x2  }
0x44: {  	v0 =	vmul.u32 $0x1AEA, v0;
	_ =	sdelay $0x1  }
0x45: {  	v0 =	vadd.s32 v20, v0  }
0x46: {  	[tilespmem:$0x1D70] =	vst v0  }
0x47: {  	v0 =	vld.idx.msk [tilespmem:v19+s2+$0x0], $0xffff  }
0x48: {  	v21 =	vld [tilespmem:$0x1B90]  }
0x49: {  	v22 =	vld [tilespmem:$0x1C80];
	_ =	sdelay $0x2  }
0x4a: {  	v0 =	vmul.u32 $0x1AEA, v0;
	_ =	sdelay $0x1  }
0x4b: {  	v0 =	vadd.s32 v22, v0  }
0x4c: {  	[tilespmem:$0x1D80] =	vst v0  }
0x4d: {  	v0 =	vld.idx.msk [tilespmem:v21+s2+$0x0], $0xffff  }
0x4e: {  	v23 =	vld [tilespmem:$0x1BA0]  }
0x4f: {  	v24 =	vld [tilespmem:$0x1C90];
	_ =	sdelay $0x2  }
0x50: {  	v0 =	vmul.u32 $0x1AEA, v0;
	_ =	sdelay $0x1  }
0x51: {  	v0 =	vadd.s32 v24, v0  }
0x52: {  	[tilespmem:$0x1D90] =	vst v0  }
0x53: {  	v0 =	vld.idx.msk [tilespmem:v23+s2+$0x0], $0xffff  }
0x54: {  	v25 =	vld [tilespmem:$0x1BB0]  }
0x55: {  	v26 =	vld [tilespmem:$0x1CA0];
	_ =	sdelay $0x2  }
0x56: {  	v0 =	vmul.u32 $0x1AEA, v0;
	_ =	sdelay $0x1  }
0x57: {  	v0 =	vadd.s32 v26, v0  }
0x58: {  	[tilespmem:$0x1DA0] =	vst v0  }
0x59: {  	v0 =	vld.idx.msk [tilespmem:v25+s2+$0x0], $0xffff  }
0x5a: {  	v27 =	vld [tilespmem:$0x1BC0]  }
0x5b: {  	v28 =	vld [tilespmem:$0x1CB0];
	_ =	sdelay $0x2  }
0x5c: {  	v0 =	vmul.u32 $0x1AEA, v0;
	_ =	sdelay $0x1  }
0x5d: {  	v0 =	vadd.s32 v28, v0  }
0x5e: {  	[tilespmem:$0x1DB0] =	vst v0  }
0x5f: {  	v0 =	vld.idx.msk [tilespmem:v27+s2+$0x0], $0xffff  }
0x60: {  	v29 =	vld [tilespmem:$0x1BD0]  }
0x61: {  	v30 =	vld [tilespmem:$0x1CC0];
	_ =	sdelay $0x2  }
0x62: {  	v0 =	vmul.u32 $0x1AEA, v0;
	_ =	sdelay $0x1  }
0x63: {  	v0 =	vadd.s32 v30, v0  }
0x64: {  	[tilespmem:$0x1DC0] =	vst v0  }
0x65: {  	v0 =	vld.idx.msk [tilespmem:v29+s2+$0x0], $0xffff  }
0x66: {  	v31 =	vld [tilespmem:$0x1BE0]  }
0x67: {  	v32 =	vld [tilespmem:$0x1CD0];
	_ =	sdelay $0x2  }
0x68: {  	v0 =	vmul.u32 $0x1AEA, v0;
	_ =	sdelay $0x1  }
0x69: {  	v0 =	vadd.s32 v32, v0  }
0x6a: {  	[tilespmem:$0x1DD0] =	vst v0  }
0x6b: {  	v0 =	vld.idx.msk [tilespmem:v31+s2+$0x0], $0xffff  }
0x6c: {  	v33 =	vld [tilespmem:$0x1BF0]  }
0x6d: {  	v34 =	vld [tilespmem:$0x1CE0];
	_ =	sdelay $0x2  }
0x6e: {  	v0 =	vmul.u32 $0x1AEA, v0;
	_ =	sdelay $0x1  }
0x6f: {  	v0 =	vadd.s32 v34, v0  }
0x70: {  	[tilespmem:$0x1DE0] =	vst v0  }
0x71: {  	v0 =	vld.idx.msk [tilespmem:v33+s2+$0x0], $0xffff;
	_ =	sdelay $0x1  }
0x72: {  	v35 =	vld [tilespmem:$0x1CF0];
	_ =	sdelay $0x2  }
0x73: {  	v0 =	vmul.u32 $0x1AEA, v0;
	_ =	sdelay $0x1  }
0x74: {  	s12 =	simm.s32 $0x80;
	v0 =	vadd.s32 v35, v0  }
0x75: {  	s13 =	simm.s32 $0x1D00;
	s14 =	simm.s32 $0x1E00;
	s11 =	sadd.s32 $0x1000, s18;
	[tilespmem:$0x1DF0] =	vst v0  }
0x76: {  	[tilespmem:s14], [sflag:$0x1] =	stream.indirect.gather [hbm4b:s11+s12], $0x1, s13, s12, $0xb8;
	[tilespmem:$0x2080] =	vst v63  }
0x77: {  	s15 =	simm.s32 $0x1D80;
	s16 =	simm.s32 $0x1E80;
	s17 =	simm.s32 $0x1  }
0x78: {  	[tilespmem:s16], [sflag:$0x1] =	stream.indirect.gather [hbm4b:s11+s12], $0x1, s15, s12, $0xb8;
	[tilespmem:$0x2080] =	vst v63  }
0x79: {  	_ =	swait.ge [sflag:s17], $0x80  }
0x7a: {  	[sflag:s17] =	ssyncset.done $0x0  }
0x7b: {  	[sflag:s17] =	ssyncadd.s32 $0xFFFFFF80  }
0x7c: {  	_ =	swait.ge [sflag:s17], $0x80  }
0x7d: {  	[sflag:s17] =	ssyncset.done $0x0  }
0x7e: {  	[sflag:s17] =	ssyncadd.s32 $0xFFFFFF80  }
0x7f: {  	v36 =	vld [tilespmem:$0x1E00]  }
0x80: {  	v37 =	vld [tilespmem:$0x1F00]  }
0x81: {  	v38 =	vld [tilespmem:$0x1F10]  }
0x82: {  	v3 =	vld [tilespmem:$0x1E10]  }
0x83: {  	v4 =	vld [tilespmem:$0x1E20]  }
0x84: {  	v5 =	vld [tilespmem:$0x1F20]  }
0x85: {  	v6 =	vld [tilespmem:$0x1E30];
	v0 =	vmul.f32 v37, v36  }
0x86: {  	v39 =	vld [tilespmem:$0x1F30]  }
0x87: {  	v40 =	vld [tilespmem:$0x1E40];
	v2 =	vmul.f32 v38, v3;
	v0 =	vadd.f32 $0.0e+00, v0  }
0x88: {  	v7 =	vld [tilespmem:$0x1F40]  }
0x89: {  	v41 =	vld [tilespmem:$0x1E50];
	v4 =	vmul.f32 v5, v4;
	v0 =	vadd.f32 v2, v0  }
0x8a: {  	v42 =	vld [tilespmem:$0x1F50]  }
0x8b: {  	v43 =	vld [tilespmem:$0x1E60];
	v1 =	vmul.f32 v39, v6;
	v0 =	vadd.f32 v4, v0  }
0x8c: {  	v44 =	vld [tilespmem:$0x1F60]  }
0x8d: {  	v45 =	vld [tilespmem:$0x1E70];
	v3 =	vmul.f32 v7, v40;
	v0 =	vadd.f32 v1, v0  }
0x8e: {  	v46 =	vld [tilespmem:$0x1F70]  }
0x8f: {  	v47 =	vld [tilespmem:$0x1E80];
	v2 =	vmul.f32 v42, v41;
	v0 =	vadd.f32 v3, v0  }
0x90: {  	v48 =	vld [tilespmem:$0x1F80]  }
0x91: {  	v49 =	vld [tilespmem:$0x1E90];
	v4 =	vmul.f32 v44, v43;
	v0 =	vadd.f32 v2, v0  }
0x92: {  	v50 =	vld [tilespmem:$0x1F90]  }
0x93: {  	v51 =	vld [tilespmem:$0x1EA0];
	v1 =	vmul.f32 v46, v45;
	v0 =	vadd.f32 v4, v0  }
0x94: {  	v52 =	vld [tilespmem:$0x1FA0]  }
0x95: {  	v53 =	vld [tilespmem:$0x1EB0];
	v3 =	vmul.f32 v48, v47;
	v0 =	vadd.f32 v1, v0  }
0x96: {  	v54 =	vld [tilespmem:$0x1FB0]  }
0x97: {  	v55 =	vld [tilespmem:$0x1EC0];
	v2 =	vmul.f32 v50, v49;
	v0 =	vadd.f32 v3, v0  }
0x98: {  	v56 =	vld [tilespmem:$0x1FC0]  }
0x99: {  	v57 =	vld [tilespmem:$0x1ED0];
	v4 =	vmul.f32 v52, v51;
	v0 =	vadd.f32 v2, v0  }
0x9a: {  	v58 =	vld [tilespmem:$0x1FD0]  }
0x9b: {  	v59 =	vld [tilespmem:$0x1EE0];
	v1 =	vmul.f32 v54, v53;
	v0 =	vadd.f32 v4, v0  }
0x9c: {  	v60 =	vld [tilespmem:$0x1FE0]  }
0x9d: {  	v61 =	vld [tilespmem:$0x1EF0];
	v3 =	vmul.f32 v56, v55;
	v0 =	vadd.f32 v1, v0  }
0x9e: {  	v62 =	vld [tilespmem:$0x1FF0]  }
0x9f: {  	s19 =	ssub.s32 $0x2, s19;
	v2 =	vmul.f32 v58, v57;
	v0 =	vadd.f32 v3, v0  }
0xa0: {  	s21 =	sshrl.u32 s19, $0x1  }
0xa1: {  	s19 =	ssub.s32 s19, s21;
	v63 =	vmul.f32 v60, v59;
	v0 =	vadd.f32 v2, v0  }
0xa2: {  	s31 =	smax.u32 s19, $0x1  }
0xa3: {  	p0 =	sne.s32 s31, $0x1;
	v1 =	vmul.f32 v62, v61;
	v0 =	vadd.f32 v63, v0  }
.Ltmp0:
0xa4: {  	_ = 	snop;
	(pc) =	sbr.rel @!p0 .LBB2_2-.Ltmp0, $4  }
0xa5: {  	s20 =	sshll.u32 s20, $0x4;
	v0 =	vadd.f32 v1, v0  }
0xa6: {  	s18 =	sadd.s32 s20, s18  }
0xa7: {  	s18 =	sadd.s32 $0x5A9C00, s18;
	s19 =	simm.s32 $0x2000;
	s20 =	sadd.s32 $0xFFFFFFFF, s31;
	[tilespmem:$0x2000] =	vst v0  }
0xa8: {  	[hbm4b:s18+s2] =	stream.linear.scatter [tilespmem:s19], [sflag:$0x2], $0x80, $0x38;
	[tilespmem:$0x2080] =	vst v63  }
.LBB2_1:
0xa9: {  	p0 =	sne.s32 s20, $0x1;
	s20 =	sadd.s32 $0xFFFFFFFF, s20;
	_ =	swait.ge [sflag:s3], $0x80  }
0xaa: {  	[sflag:s3] =	ssyncset.done $0x0  }
0xab: {  	[sflag:s3] =	ssyncadd.s32 $0xFFFFFF80  }
0xac: {  	[tilespmem:s2], [sflag:$0x2] =	stream.linear.gather [hbm4b:s4+s2], $0x1B00, $0x38;
	[tilespmem:$0x2080] =	vst v63  }
0xad: {  	_ =	swait.ge [sflag:s3], $0x1B00  }
0xae: {  	[sflag:s3] =	ssyncset.done $0x0  }
0xaf: {  	[sflag:s3] =	ssyncadd.s32 $0xFFFFE500  }
0xb0: {  	[tilespmem:s7], [sflag:$0x2] =	stream.linear.gather [hbm4b:s6+s2], $0x100, $0x38;
	[tilespmem:$0x2080] =	vst v63  }
0xb1: {  	_ =	swait.ge [sflag:s3], $0x100  }
0xb2: {  	[sflag:s3] =	ssyncset.done $0x0  }
0xb3: {  	[sflag:s3] =	ssyncadd.s32 $0xFFFFFF00  }
0xb4: {  	[tilespmem:s9], [sflag:$0x2] =	stream.linear.gather [hbm4b:s8+s2], $0x100, $0x38;
	[tilespmem:$0x2080] =	vst v63  }
0xb5: {  	_ =	swait.ge [sflag:s3], $0x100  }
0xb6: {  	[sflag:s3] =	ssyncset.done $0x0  }
0xb7: {  	[sflag:s3] =	ssyncadd.s32 $0xFFFFFF00  }
0xb8: {  	[tilespmem:s10], [sflag:$0x2] =	stream.linear.gather [hbm4b:s5+s2], $0x100, $0x38;
	[tilespmem:$0x2080] =	vst v63  }
0xb9: {  	_ =	swait.ge [sflag:s3], $0x100  }
0xba: {  	[sflag:s3] =	ssyncset.done $0x0  }
0xbb: {  	[sflag:s3] =	ssyncadd.s32 $0xFFFFFF00  }
0xbc: {  	v0 =	vld [tilespmem:$0x1B00];
	_ =	sdelay $0x7  }
0xbd: {  	v0 =	vld.idx.msk [tilespmem:v0+s2+$0x0], $0xffff;
	_ =	sdelay $0x1  }
0xbe: {  	v1 =	vld [tilespmem:$0x1B10]  }
0xbf: {  	v2 =	vld [tilespmem:$0x1C00];
	_ =	sdelay $0x2  }
0xc0: {  	v0 =	vmul.u32 $0x1AEA, v0;
	_ =	sdelay $0x1  }
0xc1: {  	v0 =	vadd.s32 v2, v0  }
0xc2: {  	[tilespmem:$0x1D00] =	vst v0  }
0xc3: {  	v0 =	vld.idx.msk [tilespmem:v1+s2+$0x0], $0xffff;
	_ =	sdelay $0x1  }
0xc4: {  	v1 =	vld [tilespmem:$0x1B20]  }
0xc5: {  	v2 =	vld [tilespmem:$0x1C10];
	_ =	sdelay $0x2  }
0xc6: {  	v0 =	vmul.u32 $0x1AEA, v0;
	_ =	sdelay $0x1  }
0xc7: {  	v0 =	vadd.s32 v2, v0  }
0xc8: {  	[tilespmem:$0x1D10] =	vst v0  }
0xc9: {  	v0 =	vld.idx.msk [tilespmem:v1+s2+$0x0], $0xffff;
	_ =	sdelay $0x1  }
0xca: {  	v1 =	vld [tilespmem:$0x1B30]  }
0xcb: {  	v2 =	vld [tilespmem:$0x1C20];
	_ =	sdelay $0x2  }
0xcc: {  	v0 =	vmul.u32 $0x1AEA, v0;
	_ =	sdelay $0x1  }
0xcd: {  	v0 =	vadd.s32 v2, v0  }
0xce: {  	[tilespmem:$0x1D20] =	vst v0  }
0xcf: {  	v0 =	vld.idx.msk [tilespmem:v1+s2+$0x0], $0xffff;
	_ =	sdelay $0x1  }
0xd0: {  	v1 =	vld [tilespmem:$0x1B40]  }
0xd1: {  	v2 =	vld [tilespmem:$0x1C30];
	_ =	sdelay $0x2  }
0xd2: {  	v0 =	vmul.u32 $0x1AEA, v0;
	_ =	sdelay $0x1  }
0xd3: {  	v0 =	vadd.s32 v2, v0  }
0xd4: {  	[tilespmem:$0x1D30] =	vst v0  }
0xd5: {  	v0 =	vld.idx.msk [tilespmem:v1+s2+$0x0], $0xffff;
	_ =	sdelay $0x1  }
0xd6: {  	v1 =	vld [tilespmem:$0x1B50]  }
0xd7: {  	v2 =	vld [tilespmem:$0x1C40];
	_ =	sdelay $0x2  }
0xd8: {  	v0 =	vmul.u32 $0x1AEA, v0;
	_ =	sdelay $0x1  }
0xd9: {  	v0 =	vadd.s32 v2, v0  }
0xda: {  	[tilespmem:$0x1D40] =	vst v0  }
0xdb: {  	v0 =	vld.idx.msk [tilespmem:v1+s2+$0x0], $0xffff;
	_ =	sdelay $0x1  }
0xdc: {  	v1 =	vld [tilespmem:$0x1B60]  }
0xdd: {  	v2 =	vld [tilespmem:$0x1C50];
	_ =	sdelay $0x2  }
0xde: {  	v0 =	vmul.u32 $0x1AEA, v0;
	_ =	sdelay $0x1  }
0xdf: {  	v0 =	vadd.s32 v2, v0  }
0xe0: {  	[tilespmem:$0x1D50] =	vst v0  }
0xe1: {  	v0 =	vld.idx.msk [tilespmem:v1+s2+$0x0], $0xffff;
	_ =	sdelay $0x1  }
0xe2: {  	v1 =	vld [tilespmem:$0x1B70]  }
0xe3: {  	v2 =	vld [tilespmem:$0x1C60];
	_ =	sdelay $0x2  }
0xe4: {  	v0 =	vmul.u32 $0x1AEA, v0;
	_ =	sdelay $0x1  }
0xe5: {  	v0 =	vadd.s32 v2, v0  }
0xe6: {  	[tilespmem:$0x1D60] =	vst v0  }
0xe7: {  	v0 =	vld.idx.msk [tilespmem:v1+s2+$0x0], $0xffff;
	_ =	sdelay $0x1  }
0xe8: {  	v1 =	vld [tilespmem:$0x1B80]  }
0xe9: {  	v2 =	vld [tilespmem:$0x1C70];
	_ =	sdelay $0x2  }
0xea: {  	v0 =	vmul.u32 $0x1AEA, v0;
	_ =	sdelay $0x1  }
0xeb: {  	v0 =	vadd.s32 v2, v0  }
0xec: {  	[tilespmem:$0x1D70] =	vst v0  }
0xed: {  	v0 =	vld.idx.msk [tilespmem:v1+s2+$0x0], $0xffff;
	_ =	sdelay $0x1  }
0xee: {  	v1 =	vld [tilespmem:$0x1B90]  }
0xef: {  	v2 =	vld [tilespmem:$0x1C80];
	_ =	sdelay $0x2  }
0xf0: {  	v0 =	vmul.u32 $0x1AEA, v0;
	_ =	sdelay $0x1  }
0xf1: {  	v0 =	vadd.s32 v2, v0  }
0xf2: {  	[tilespmem:$0x1D80] =	vst v0  }
0xf3: {  	v0 =	vld.idx.msk [tilespmem:v1+s2+$0x0], $0xffff;
	_ =	sdelay $0x1  }
0xf4: {  	v1 =	vld [tilespmem:$0x1BA0]  }
0xf5: {  	v2 =	vld [tilespmem:$0x1C90];
	_ =	sdelay $0x2  }
0xf6: {  	v0 =	vmul.u32 $0x1AEA, v0;
	_ =	sdelay $0x1  }
0xf7: {  	v0 =	vadd.s32 v2, v0  }
0xf8: {  	[tilespmem:$0x1D90] =	vst v0  }
0xf9: {  	v0 =	vld.idx.msk [tilespmem:v1+s2+$0x0], $0xffff;
	_ =	sdelay $0x1  }
0xfa: {  	v1 =	vld [tilespmem:$0x1BB0]  }
0xfb: {  	v2 =	vld [tilespmem:$0x1CA0];
	_ =	sdelay $0x2  }
0xfc: {  	v0 =	vmul.u32 $0x1AEA, v0;
	_ =	sdelay $0x1  }
0xfd: {  	v0 =	vadd.s32 v2, v0  }
0xfe: {  	[tilespmem:$0x1DA0] =	vst v0  }
0xff: {  	v0 =	vld.idx.msk [tilespmem:v1+s2+$0x0], $0xffff;
	_ =	sdelay $0x1  }
0x100: {  	v1 =	vld [tilespmem:$0x1BC0]  }
0x101: {  	v2 =	vld [tilespmem:$0x1CB0];
	_ =	sdelay $0x2  }
0x102: {  	v0 =	vmul.u32 $0x1AEA, v0;
	_ =	sdelay $0x1  }
0x103: {  	v0 =	vadd.s32 v2, v0  }
0x104: {  	[tilespmem:$0x1DB0] =	vst v0  }
0x105: {  	v0 =	vld.idx.msk [tilespmem:v1+s2+$0x0], $0xffff;
	_ =	sdelay $0x1  }
0x106: {  	v1 =	vld [tilespmem:$0x1BD0]  }
0x107: {  	v2 =	vld [tilespmem:$0x1CC0];
	_ =	sdelay $0x2  }
0x108: {  	v0 =	vmul.u32 $0x1AEA, v0;
	_ =	sdelay $0x1  }
0x109: {  	v0 =	vadd.s32 v2, v0  }
0x10a: {  	[tilespmem:$0x1DC0] =	vst v0  }
0x10b: {  	v0 =	vld.idx.msk [tilespmem:v1+s2+$0x0], $0xffff;
	_ =	sdelay $0x1  }
0x10c: {  	v1 =	vld [tilespmem:$0x1BE0]  }
0x10d: {  	v2 =	vld [tilespmem:$0x1CD0];
	_ =	sdelay $0x2  }
0x10e: {  	v0 =	vmul.u32 $0x1AEA, v0;
	_ =	sdelay $0x1  }
0x10f: {  	v0 =	vadd.s32 v2, v0  }
0x110: {  	[tilespmem:$0x1DD0] =	vst v0  }
0x111: {  	v0 =	vld.idx.msk [tilespmem:v1+s2+$0x0], $0xffff;
	_ =	sdelay $0x1  }
0x112: {  	v1 =	vld [tilespmem:$0x1BF0]  }
0x113: {  	v2 =	vld [tilespmem:$0x1CE0];
	_ =	sdelay $0x2  }
0x114: {  	v0 =	vmul.u32 $0x1AEA, v0;
	_ =	sdelay $0x1  }
0x115: {  	v0 =	vadd.s32 v2, v0  }
0x116: {  	[tilespmem:$0x1DE0] =	vst v0  }
0x117: {  	v0 =	vld.idx.msk [tilespmem:v1+s2+$0x0], $0xffff;
	_ =	sdelay $0x2  }
0x118: {  	v1 =	vld [tilespmem:$0x1CF0];
	_ =	sdelay $0x2  }
0x119: {  	v0 =	vmul.u32 $0x1AEA, v0;
	_ =	sdelay $0x1  }
0x11a: {  	v0 =	vadd.s32 v1, v0  }
0x11b: {  	[tilespmem:$0x1DF0] =	vst v0  }
0x11c: {  	[tilespmem:s14], [sflag:$0x1] =	stream.indirect.gather [hbm4b:s11+s12], $0x1, s13, s12, $0xb8;
	[tilespmem:$0x2080] =	vst v63  }
0x11d: {  	_ = 	snop  }
0x11e: {  	[tilespmem:s16], [sflag:$0x1] =	stream.indirect.gather [hbm4b:s11+s12], $0x1, s15, s12, $0xb8;
	[tilespmem:$0x2080] =	vst v63  }
0x11f: {  	_ =	swait.ge [sflag:s17], $0x80  }
0x120: {  	[sflag:s17] =	ssyncset.done $0x0  }
0x121: {  	[sflag:s17] =	ssyncadd.s32 $0xFFFFFF80  }
0x122: {  	_ =	swait.ge [sflag:s17], $0x80  }
0x123: {  	[sflag:s17] =	ssyncset.done $0x0  }
0x124: {  	[sflag:s17] =	ssyncadd.s32 $0xFFFFFF80  }
0x125: {  	v0 =	vld [tilespmem:$0x1F10]  }
0x126: {  	v1 =	vld [tilespmem:$0x1E00]  }
0x127: {  	v2 =	vld [tilespmem:$0x1F00]  }
0x128: {  	v3 =	vld [tilespmem:$0x1E10]  }
0x129: {  	v4 =	vld [tilespmem:$0x1E20]  }
0x12a: {  	v5 =	vld [tilespmem:$0x1F20]  }
0x12b: {  	v6 =	vld [tilespmem:$0x1E30]  }
0x12c: {  	v1 =	vmul.f32 v2, v1;
	v2 =	vld [tilespmem:$0x1F30]  }
0x12d: {  	v0 =	vmul.f32 v0, v3;
	v3 =	vld [tilespmem:$0x1E40]  }
0x12e: {  	v1 =	vadd.f32 $0.0e+00, v1;
	v7 =	vld [tilespmem:$0x1F40]  }
0x12f: {  	v4 =	vmul.f32 v5, v4;
	v5 =	vld [tilespmem:$0x1E50]  }
0x130: {  	v0 =	vadd.f32 v0, v1;
	v1 =	vld [tilespmem:$0x1F50]  }
0x131: {  	v2 =	vmul.f32 v2, v6;
	v6 =	vld [tilespmem:$0x1E60]  }
0x132: {  	v0 =	vadd.f32 v4, v0;
	v4 =	vld [tilespmem:$0x1F60]  }
0x133: {  	v3 =	vmul.f32 v7, v3;
	v7 =	vld [tilespmem:$0x1E70]  }
0x134: {  	v0 =	vadd.f32 v2, v0;
	v2 =	vld [tilespmem:$0x1F70]  }
0x135: {  	v1 =	vmul.f32 v1, v5;
	v5 =	vld [tilespmem:$0x1E80]  }
0x136: {  	v0 =	vadd.f32 v3, v0;
	v3 =	vld [tilespmem:$0x1F80]  }
0x137: {  	v4 =	vmul.f32 v4, v6;
	v6 =	vld [tilespmem:$0x1E90]  }
0x138: {  	v0 =	vadd.f32 v1, v0;
	v1 =	vld [tilespmem:$0x1F90]  }
0x139: {  	v2 =	vmul.f32 v2, v7;
	v7 =	vld [tilespmem:$0x1EA0]  }
0x13a: {  	v0 =	vadd.f32 v4, v0;
	v4 =	vld [tilespmem:$0x1FA0]  }
0x13b: {  	v3 =	vmul.f32 v3, v5;
	v5 =	vld [tilespmem:$0x1EB0]  }
0x13c: {  	v0 =	vadd.f32 v2, v0;
	v2 =	vld [tilespmem:$0x1FB0]  }
0x13d: {  	v1 =	vmul.f32 v1, v6;
	v6 =	vld [tilespmem:$0x1EC0]  }
0x13e: {  	v0 =	vadd.f32 v3, v0;
	v3 =	vld [tilespmem:$0x1FC0]  }
0x13f: {  	v4 =	vmul.f32 v4, v7;
	v7 =	vld [tilespmem:$0x1ED0]  }
0x140: {  	v0 =	vadd.f32 v1, v0;
	v1 =	vld [tilespmem:$0x1FD0]  }
0x141: {  	v2 =	vmul.f32 v2, v5;
	v5 =	vld [tilespmem:$0x1EE0]  }
0x142: {  	v0 =	vadd.f32 v4, v0;
	v4 =	vld [tilespmem:$0x1FE0]  }
0x143: {  	v3 =	vmul.f32 v3, v6;
	v6 =	vld [tilespmem:$0x1EF0]  }
0x144: {  	v0 =	vadd.f32 v2, v0;
	v2 =	vld [tilespmem:$0x1FF0]  }
0x145: {  	v1 =	vmul.f32 v1, v7  }
0x146: {  	v0 =	vadd.f32 v3, v0  }
0x147: {  	v3 =	vmul.f32 v4, v5  }
0x148: {  	v0 =	vadd.f32 v1, v0  }
0x149: {  	v1 =	vmul.f32 v2, v6  }
0x14a: {  	v0 =	vadd.f32 v3, v0  }
.Ltmp1:
0x14b: {  	(pc) =	sbr.rel @p0 .LBB2_1-.Ltmp1, $3  }
0x14c: {  	v0 =	vadd.f32 v1, v0;
	_ =	sdelay $0x1  }
0x14d: {  	[tilespmem:$0x2000] =	vst v0  }
0x14e: {  	[hbm4b:s18+s2] =	stream.linear.scatter [tilespmem:s19], [sflag:$0x2], $0x80, $0x38;
	[tilespmem:$0x2080] =	vst v63  }
.LBB2_2:
0x14f: {  	_ =	swait.ge [sflag:s3], $0x80  }
0x150: {  	[sflag:s3] =	ssyncset.done $0x0  }
0x151: {  	[sflag:s3] =	ssyncadd.s32 $0xFFFFFF80  }
0x152: {  	_ =	sfence.sel $0x180000  }
0x153: {  	[bflag:$0x0] =	sbarrier.arrive $0xFFFF  }
0x154: {  	p0 =	sne.s32 s1, $0x0;
	_ =	strace $0x90000047  }
0x155: {  	s0 =	sadd.s32 @!p0 $0x100000, s0;
	[bflag:$0x2] =	sbarrier.arrive $0xFFFF  }
0x156: {  	[sflag:s0] =	ssyncadd.tile.s32 @!p0 $0x1;
	_ =	shalt  }
.Lfunc_end2:
_tile_overlayer_lowered:
.L_overlay_start_2:
0x157: {  	(tag) =	ssettag $0x2  }
0x158: {  	s0 =	rddreg [dreg:$0x0];
	s2 =	stileid.u32  }
0x159: {  	s1 =	rddreg [dreg:$0x1];
	p0 =	sne.s32 s2, $0x0  }
0x15a: {  	s3 =	rddreg [dreg:$0x2];
	[bflag:$0x3] =	sbarrier.arrive $0xFFFF;
	s2 =	simm.s32 @!p0 $0x1C02  }
0x15b: {  	[timem:s3], [sflag:s2] =	dma.local @!p0 [hbm:s0], s1  }
0x15c: {  	s0 =	simm.s32 @!p0 $0x2  }
0x15d: {  	_ =	swait.ge @!p0 [sflag:s0], s1  }
0x15e: {  	s1 =	ssub.s32 @!p0 $0x0, s1;
	[sflag:s0] =	ssyncset.done @!p0 $0x0  }
0x15f: {  	[sflag:s0] =	ssyncadd.s32 @!p0 s1  }
0x160: {  	[bflag:$0x3] =	sbarrier.arrive $0xFFFF  }
0x161: {  	_ =	shalt  }

</sc_bundles>
